<compile_context>
chip_gen: v7x
topology: tpu7x:2x2x1
jax: 0.10.2.dev20260603
libtpu: 0.0.44.dev20260713+nightly
codegen_flags: <defaults>
</compile_context>

<pallas_src>
import functools

import jax
import jax.numpy as jnp
from jax import lax
from jax.experimental import pallas as pl
from jax.experimental.pallas import tpu as pltpu
from jax.experimental.pallas import tpu_sc as plsc

E = 8
D = 768
H = 3072
TOPK = 2
N = 2048
NS = N * TOPK
T = 256
TSH = 8
NB = NS // T + E
NPAD = NB * T

SC_CORES = 2
SC_SUBCORES = 16
NW = SC_CORES * SC_SUBCORES
TOK_W = N // NW


def _routing_body(x_ref, wg_ref, bg_ref, pe_ref, po_ref, w1_ref, w2_ref,
                  be_ref, nu_ref, p_scratch):
    x = x_ref[...]
    wg = wg_ref[...]
    logits = lax.dot_general(x, wg, (((1,), (1,)), ((), ())),
                             preferred_element_type=jnp.float32)
    logits = logits + bg_ref[...][None, :]

    us = (lax.broadcasted_iota(jnp.int32, (E, E), 0)
          < lax.broadcasted_iota(jnp.int32, (E, E), 1)).astype(jnp.float32)

    v1 = jnp.max(logits, axis=1, keepdims=True)
    oh = (logits == v1).astype(jnp.float32)
    pre = lax.dot_general(oh, us, (((1,), (0,)), ((), ())))
    oh1 = jnp.where((oh > 0.0) & (pre == 0.0), 1.0, 0.0)
    logits2 = jnp.where(oh1 > 0.0, -1e30, logits)
    v2 = jnp.max(logits2, axis=1, keepdims=True)
    ohb = (logits2 == v2).astype(jnp.float32)
    pre2 = lax.dot_general(ohb, us, (((1,), (0,)), ((), ())))
    oh2 = jnp.where((ohb > 0.0) & (pre2 == 0.0), 1.0, 0.0)

    b = jnp.exp(v2 - v1)
    w1_ref[...] = 1.0 / (1.0 + b)
    w2_ref[...] = b / (1.0 + b)

    a = oh1 + oh2

    ch = 128
    nch = N // ch
    lo = (lax.broadcasted_iota(jnp.int32, (ch, ch), 0)
          >= lax.broadcasted_iota(jnp.int32, (ch, ch), 1)).astype(jnp.float32)
    carry = jnp.zeros((1, E), dtype=jnp.float32)
    for i in range(nch):
        a_ch = a[i * ch:(i + 1) * ch, :]
        inc = lax.dot_general(lo, a_ch, (((1,), (0,)), ((), ())))
        p_scratch[i * ch:(i + 1) * ch, :] = inc - a_ch + carry
        carry = carry + inc[ch - 1:ch, :]

    counts = carry
    cnt = counts.astype(jnp.int32)
    nblk = (cnt + (T - 1)) >> TSH
    nblk_f = nblk.astype(jnp.float32)
    excl = lax.dot_general(nblk_f, us, (((1,), (0,)), ((), ())))
    padded_start = excl * float(T)
    end_block = excl + nblk_f

    base = p_scratch[...] + padded_start
    pe_ref[...] = jnp.sum(base * oh1, axis=1).astype(jnp.int32)
    po_ref[...] = jnp.sum(base * oh2, axis=1).astype(jnp.int32)

    bi = lax.broadcasted_iota(jnp.int32, (NB, E), 0).astype(jnp.float32)
    be = jnp.sum((bi >= end_block).astype(jnp.int32), axis=1)
    be_ref[...] = jnp.minimum(be, E - 1)
    nu_ref[...] = jnp.sum(nblk, axis=1)


def _routing(x, wg, bg):
    return pl.pallas_call(
        _routing_body,
        out_shape=[
            jax.ShapeDtypeStruct((N,), jnp.int32),
            jax.ShapeDtypeStruct((N,), jnp.int32),
            jax.ShapeDtypeStruct((N, 1), jnp.float32),
            jax.ShapeDtypeStruct((N, 1), jnp.float32),
            jax.ShapeDtypeStruct((NB,), jnp.int32),
            jax.ShapeDtypeStruct((1,), jnp.int32),
        ],
        scratch_shapes=[pltpu.VMEM((N, E), jnp.float32)],
    )(x, wg, bg)


def _dispatch_body(x_hbm, pe_hbm, po_hbm, out_hbm, pe_v, po_v, rows_v,
                   sem0, sem1):
    wid = lax.axis_index("s") * SC_CORES + lax.axis_index("c")
    base = wid * TOK_W
    cin = pltpu.async_copy(x_hbm.at[pl.ds(base, TOK_W)], rows_v, sem0)
    pltpu.sync_copy(pe_hbm.at[pl.ds(base, TOK_W)], pe_v)
    pltpu.sync_copy(po_hbm.at[pl.ds(base, TOK_W)], po_v)
    cin.wait()
    s0 = pltpu.async_copy(rows_v, out_hbm.at[pe_v], sem0)
    s1 = pltpu.async_copy(rows_v, out_hbm.at[po_v], sem1)
    s0.wait()
    s1.wait()


@functools.cache
def _sc_mesh():
    return plsc.VectorSubcoreMesh(core_axis_name="c", subcore_axis_name="s",
                                  num_cores=SC_CORES,
                                  num_subcores=SC_SUBCORES)


def _dispatch(x, pe1, po1):
    f = pl.kernel(
        _dispatch_body,
        out_type=jax.ShapeDtypeStruct((NPAD, D), jnp.float32),
        mesh=_sc_mesh(),
        scratch_types=[
            pltpu.VMEM((TOK_W,), jnp.int32),
            pltpu.VMEM((TOK_W,), jnp.int32),
            pltpu.VMEM((TOK_W, D), jnp.float32),
            pltpu.SemaphoreType.DMA,
            pltpu.SemaphoreType.DMA,
        ],
    )
    return f(x, pe1, po1)


def _combine_gather_body(ye_hbm, pe_hbm, po_hbm, y0_hbm, y1_hbm,
                         pe_v, po_v, rows0_v, rows1_v, sem0, sem1):
    wid = lax.axis_index("s") * SC_CORES + lax.axis_index("c")
    base = wid * TOK_W
    pltpu.sync_copy(pe_hbm.at[pl.ds(base, TOK_W)], pe_v)
    pltpu.sync_copy(po_hbm.at[pl.ds(base, TOK_W)], po_v)
    g0 = pltpu.async_copy(ye_hbm.at[pe_v], rows0_v, sem0)
    g1 = pltpu.async_copy(ye_hbm.at[po_v], rows1_v, sem1)
    g0.wait()
    o0 = pltpu.async_copy(rows0_v, y0_hbm.at[pl.ds(base, TOK_W)], sem0)
    g1.wait()
    o1 = pltpu.async_copy(rows1_v, y1_hbm.at[pl.ds(base, TOK_W)], sem1)
    o0.wait()
    o1.wait()


def _combine_gather(ye, pe1, po1):
    f = pl.kernel(
        _combine_gather_body,
        out_type=(jax.ShapeDtypeStruct((N, D), jnp.float32),
                  jax.ShapeDtypeStruct((N, D), jnp.float32)),
        mesh=_sc_mesh(),
        scratch_types=[
            pltpu.VMEM((TOK_W,), jnp.int32),
            pltpu.VMEM((TOK_W,), jnp.int32),
            pltpu.VMEM((TOK_W, D), jnp.float32),
            pltpu.VMEM((TOK_W, D), jnp.float32),
            pltpu.SemaphoreType.DMA,
            pltpu.SemaphoreType.DMA,
        ],
    )
    return f(ye, pe1, po1)


def _expert_body(nu_ref, be_ref, xs_ref, w1_ref, w2_ref, out_ref):
    b = pl.program_id(0)

    @pl.when(b < nu_ref[0])
    def _():
        xb = xs_ref[...].astype(jnp.bfloat16)
        h = lax.dot_general(xb, w1_ref[0], (((1,), (1,)), ((), ())),
                            preferred_element_type=jnp.float32)
        h = 0.5 * h * (1.0 + lax.erf(h * 0.7071067811865476))
        y = lax.dot_general(h.astype(jnp.bfloat16), w2_ref[0],
                            (((1,), (1,)), ((), ())),
                            preferred_element_type=jnp.float32)
        out_ref[...] = y


def _expert_mlp(nu, be, xs, w1b, w2b):
    grid_spec = pltpu.PrefetchScalarGridSpec(
        num_scalar_prefetch=2,
        grid=(NB,),
        in_specs=[
            pl.BlockSpec((T, D),
                         lambda b, nu_s, be_s: (jnp.minimum(b, nu_s[0] - 1),
                                                0)),
            pl.BlockSpec((1, H, D), lambda b, nu_s, be_s: (be_s[b], 0, 0)),
            pl.BlockSpec((1, D, H), lambda b, nu_s, be_s: (be_s[b], 0, 0)),
        ],
        out_specs=pl.BlockSpec(
            (T, D),
            lambda b, nu_s, be_s: (jnp.minimum(b, nu_s[0] - 1), 0)),
    )
    return pl.pallas_call(
        _expert_body,
        grid_spec=grid_spec,
        out_shape=jax.ShapeDtypeStruct((NPAD, D), jnp.float32),
        compiler_params=pltpu.CompilerParams(
            allow_input_fusion=[False, False, False, True, True]),
    )(nu, be, xs, w1b, w2b)


def _ln_body(y0_ref, y1_ref, x_ref, w1_ref, w2_ref, g_ref, b_ref, out_ref):
    y = (y0_ref[...] * w1_ref[...] + y1_ref[...] * w2_ref[...] + x_ref[...])
    mu = jnp.mean(y, axis=1, keepdims=True)
    c = y - mu
    var = jnp.mean(c * c, axis=1, keepdims=True)
    out_ref[...] = (c * lax.rsqrt(var + 1e-5) * g_ref[...][None, :]
                    + b_ref[...][None, :])


def _combine_ln(y0, y1, x, w1, w2, gamma, beta):
    blk = 256
    grid = (N // blk,)
    row_spec = pl.BlockSpec((blk, D), lambda i: (i, 0))
    w_spec = pl.BlockSpec((blk, 1), lambda i: (i, 0))
    vec_spec = pl.BlockSpec((D,), lambda i: (0,))
    return pl.pallas_call(
        _ln_body,
        grid=grid,
        in_specs=[row_spec, row_spec, row_spec, w_spec, w_spec,
                  vec_spec, vec_spec],
        out_specs=row_spec,
        out_shape=jax.ShapeDtypeStruct((N, D), jnp.float32),
    )(y0, y1, x, w1, w2, gamma, beta)


def kernel(inp, Wg, bg, W1, W2, ln_gamma, ln_beta, bias):
    x = inp.reshape(N, D)
    w1b = W1.astype(jnp.bfloat16)
    w2b = W2.astype(jnp.bfloat16)
    pe, po, w1g, w2g, be, nu = _routing(x, Wg, bg)
    xs = _dispatch(x, pe, po)
    ye = _expert_mlp(nu, be, xs, w1b, w2b)
    y0, y1 = _combine_gather(ye, pe, po)
    out = _combine_ln(y0, y1, x, w1g, w2g, ln_gamma, ln_beta)
    return (out.reshape(inp.shape), bias)

# --- scband reference (transcript-rebuilt; emitter-appended) ---
"""Pipeline reference for scband-fmo-etransformer-mlp-13151189860755 (READ-ONLY COPY).

The authoritative reference and input builder live on the scoring server;
editing this copy changes nothing except your own understanding.
"""

import jax, jax.numpy as jnp
import numpy as np

NUM_EXPERT = 8
D_MODEL = 768
D_HIDDEN = 3072
TOP_K = 2
B = 1
S = 2048


def setup_inputs(seed: int = 0) -> dict:
    key = jax.random.key(seed)
    ks = jax.random.split(key, 6)
    inp = jax.random.normal(ks[0], (B, S, D_MODEL), dtype=jnp.float32)
    Wg = jax.random.normal(ks[1], (NUM_EXPERT, D_MODEL), dtype=jnp.float32) * (1.0 / np.sqrt(D_MODEL))
    bg = jnp.zeros((NUM_EXPERT,), dtype=jnp.float32)
    W1 = jax.random.normal(ks[2], (NUM_EXPERT, D_HIDDEN, D_MODEL), dtype=jnp.float32) * (1.0 / np.sqrt(D_MODEL))
    W2 = jax.random.normal(ks[3], (NUM_EXPERT, D_MODEL, D_HIDDEN), dtype=jnp.float32) * (1.0 / np.sqrt(D_HIDDEN))
    ln_gamma = jnp.ones((D_MODEL,), dtype=jnp.float32)
    ln_beta = jnp.zeros((D_MODEL,), dtype=jnp.float32)
    bias = jnp.zeros((D_MODEL,), dtype=jnp.float32)
    return {"inp": inp, "Wg": Wg, "bg": bg, "W1": W1, "W2": W2, "ln_gamma": ln_gamma, "ln_beta": ln_beta, "bias": bias}


def _layer_norm(x, gamma, beta, eps=1e-5):
    mu = jnp.mean(x, axis=-1, keepdims=True)
    var = jnp.mean((x - mu) ** 2, axis=-1, keepdims=True)
    return (x - mu) / jnp.sqrt(var + eps) * gamma + beta


def reference(inp, Wg, bg, W1, W2, ln_gamma, ln_beta, bias):
    original_shape = inp.shape
    x = inp.reshape(-1, D_MODEL)
    residual = x
    # naive gate: linear -> top_k -> softmax over top-k logits
    gate_logits = x @ Wg.T + bg
    gate_top_k_val, gate_top_k_idx = jax.lax.top_k(gate_logits, TOP_K)
    gate_score = jax.nn.softmax(gate_top_k_val, axis=-1)[:, None, :]  # [N, 1, k]
    idx_flat = gate_top_k_idx.reshape(-1)  # [N*k]
    # repeat_interleave tokens by top_k (row 2i, 2i+1 match flattened idx order)
    x_rep = jnp.repeat(x, TOP_K, axis=0)  # [N*k, d_model]
    # expert MLP dispatch (equivalent to MOEScatter -> grouped linears -> MOEGather)
    y = jnp.zeros_like(x_rep)
    for e in range(NUM_EXPERT):
        h = jax.nn.gelu(x_rep @ W1[e].T, approximate=False)
        ye = h @ W2[e].T
        y = y + jnp.where((idx_flat == e)[:, None], ye, 0.0)
    core_out = y.reshape(-1, TOP_K, D_MODEL)  # [N, k, d_model]
    out = jnp.einsum('nok,nkd->nod', gate_score, core_out).reshape(residual.shape)
    out = out + residual
    out = _layer_norm(out, ln_gamma, ln_beta)
    return (out.reshape(original_shape), bias)

if __name__ == "__main__":
    import jax
    _d = setup_inputs()
    print(jax.jit(kernel)(*tuple(_d.values())))

</pallas_src>

<mosaic_0001>
#map = affine_map<(d0, d1) -> (0, 0)>
#map1 = affine_map<(d0, d1) -> (0)>
module attributes {stable_mosaic.version = 14 : i64} {
  func.func @_combine_gather_body(%arg0: i32, %arg1: i32, %arg2: memref<6144x768xf32, #tpu.memory_space<hbm>>, %arg3: memref<2048xi32, #tpu.memory_space<hbm>>, %arg4: memref<2048xi32, #tpu.memory_space<hbm>>, %arg5: memref<2048x768xf32, #tpu.memory_space<hbm>>, %arg6: memref<2048x768xf32, #tpu.memory_space<hbm>>, %arg7: memref<64xi32, #tpu.memory_space<vmem>>, %arg8: memref<64xi32, #tpu.memory_space<vmem>>, %arg9: memref<64x768xf32, #tpu.memory_space<vmem>>, %arg10: memref<64x768xf32, #tpu.memory_space<vmem>>, %arg11: memref<!tpu.dma_semaphore, #tpu.memory_space<semaphore_mem>>, %arg12: memref<!tpu.dma_semaphore, #tpu.memory_space<semaphore_mem>>) attributes {dimension_semantics = [#tpu.dimension_semantics<core_parallel>, #tpu.dimension_semantics<subcore_parallel>], iteration_bounds = array<i64: 2, 16>, scalar_prefetch = 0 : i64, scratch_operands = 6 : i64, tpu.core_type = #tpu.core_type<sc_vector_subcore>, window_params = [{transform_indices = #map}, {transform_indices = #map1}, {transform_indices = #map1}, {transform_indices = #map}, {transform_indices = #map}]} {
    %mul3A = arith.constant 2 : i32
    %mul3A_0 = arith.muli %arg1, %mul3A : i32
    %add3A = arith.addi %mul3A_0, %arg0 : i32
    %mul3A_1 = arith.constant 64 : i32
    %mul3A_2 = arith.muli %add3A, %mul3A_1 : i32
    "tpu.region"() ({
      %run_scoped3A = tpu.sem_alloc : memref<!tpu.dma_semaphore, #tpu.memory_space<semaphore_mem>>
      %dma_start3A_29 = tpu.memref_slice %arg3[%mul3A_2] : memref<2048xi32, #tpu.memory_space<hbm>> -> memref<64xi32, #tpu.memory_space<hbm>>
      %dma_start3A_30 = tpu.memref_slice %arg3[%mul3A_2] : memref<2048xi32, #tpu.memory_space<hbm>> -> memref<64xi32, #tpu.memory_space<hbm>>
      tpu.enqueue_dma source(%dma_start3A_30 : memref<64xi32, #tpu.memory_space<hbm>>) target(%arg7 : memref<64xi32, #tpu.memory_space<vmem>>) target_semaphore(%run_scoped3A : memref<!tpu.dma_semaphore, #tpu.memory_space<semaphore_mem>>)
      %dma_wait3A_31 = tpu.memref_slice %arg3[%mul3A_2] : memref<2048xi32, #tpu.memory_space<hbm>> -> memref<64xi32, #tpu.memory_space<hbm>>
      %dma_wait3A_32 = tpu.memref_slice %arg3[%mul3A_2] : memref<2048xi32, #tpu.memory_space<hbm>> -> memref<64xi32, #tpu.memory_space<hbm>>
      tpu.wait_dma2 semaphore(%run_scoped3A : memref<!tpu.dma_semaphore, #tpu.memory_space<semaphore_mem>>) src(%dma_wait3A_32 : memref<64xi32, #tpu.memory_space<hbm>>) dst(%arg7 : memref<64xi32, #tpu.memory_space<vmem>>)
      tpu.yield
    }) : () -> ()
    "tpu.region"() ({
      %run_scoped3A = tpu.sem_alloc : memref<!tpu.dma_semaphore, #tpu.memory_space<semaphore_mem>>
      %dma_start3A_29 = tpu.memref_slice %arg4[%mul3A_2] : memref<2048xi32, #tpu.memory_space<hbm>> -> memref<64xi32, #tpu.memory_space<hbm>>
      %dma_start3A_30 = tpu.memref_slice %arg4[%mul3A_2] : memref<2048xi32, #tpu.memory_space<hbm>> -> memref<64xi32, #tpu.memory_space<hbm>>
      tpu.enqueue_dma source(%dma_start3A_30 : memref<64xi32, #tpu.memory_space<hbm>>) target(%arg8 : memref<64xi32, #tpu.memory_space<vmem>>) target_semaphore(%run_scoped3A : memref<!tpu.dma_semaphore, #tpu.memory_space<semaphore_mem>>)
      %dma_wait3A_31 = tpu.memref_slice %arg4[%mul3A_2] : memref<2048xi32, #tpu.memory_space<hbm>> -> memref<64xi32, #tpu.memory_space<hbm>>
      %dma_wait3A_32 = tpu.memref_slice %arg4[%mul3A_2] : memref<2048xi32, #tpu.memory_space<hbm>> -> memref<64xi32, #tpu.memory_space<hbm>>
      tpu.wait_dma2 semaphore(%run_scoped3A : memref<!tpu.dma_semaphore, #tpu.memory_space<semaphore_mem>>) src(%dma_wait3A_32 : memref<64xi32, #tpu.memory_space<hbm>>) dst(%arg8 : memref<64xi32, #tpu.memory_space<vmem>>)
      tpu.yield
    }) : () -> ()
    %dma_start3A = arith.constant 0 : i32
    %dma_start3A_3 = arith.constant 0 : i32
    %dma_start3A_4 = tpu.memref_slice %arg2[%dma_start3A, %dma_start3A_3] : memref<6144x768xf32, #tpu.memory_space<hbm>> -> memref<6144x768xf32, #tpu.memory_space<hbm>>
    tpu.enqueue_indirect_dma source(%dma_start3A_4 : memref<6144x768xf32, #tpu.memory_space<hbm>>) target(%arg9 : memref<64x768xf32, #tpu.memory_space<vmem>>) offsets(%arg7 : memref<64xi32, #tpu.memory_space<vmem>>) semaphore(%arg11 : memref<!tpu.dma_semaphore, #tpu.memory_space<semaphore_mem>>)
    %dma_start3A_5 = arith.constant 0 : i32
    %dma_start3A_6 = arith.constant 0 : i32
    %dma_start3A_7 = tpu.memref_slice %arg2[%dma_start3A_5, %dma_start3A_6] : memref<6144x768xf32, #tpu.memory_space<hbm>> -> memref<6144x768xf32, #tpu.memory_space<hbm>>
    tpu.enqueue_indirect_dma source(%dma_start3A_7 : memref<6144x768xf32, #tpu.memory_space<hbm>>) target(%arg10 : memref<64x768xf32, #tpu.memory_space<vmem>>) offsets(%arg8 : memref<64xi32, #tpu.memory_space<vmem>>) semaphore(%arg12 : memref<!tpu.dma_semaphore, #tpu.memory_space<semaphore_mem>>)
    %dma_wait3A = arith.constant 0 : i32
    %dma_wait3A_8 = arith.constant 0 : i32
    %dma_wait3A_9 = tpu.memref_slice %arg2[%dma_wait3A, %dma_wait3A_8] : memref<6144x768xf32, #tpu.memory_space<hbm>> -> memref<6144x768xf32, #tpu.memory_space<hbm>>
    tpu.wait_indirect_dma semaphore(%arg11 : memref<!tpu.dma_semaphore, #tpu.memory_space<semaphore_mem>>) src(%dma_wait3A_9 : memref<6144x768xf32, #tpu.memory_space<hbm>>) dst(%arg9 : memref<64x768xf32, #tpu.memory_space<vmem>>)
    %dma_start3A_10 = arith.constant 0 : i32
    %dma_start3A_11 = tpu.memref_slice %arg5[%mul3A_2, %dma_start3A_10] : memref<2048x768xf32, #tpu.memory_space<hbm>> -> memref<64x768xf32, #tpu.memory_space<hbm>>
    %dma_start3A_12 = arith.constant 0 : i32
    %dma_start3A_13 = tpu.memref_slice %arg5[%mul3A_2, %dma_start3A_12] : memref<2048x768xf32, #tpu.memory_space<hbm>> -> memref<64x768xf32, #tpu.memory_space<hbm>>
    tpu.enqueue_dma source(%arg9 : memref<64x768xf32, #tpu.memory_space<vmem>>) target(%dma_start3A_13 : memref<64x768xf32, #tpu.memory_space<hbm>>) target_semaphore(%arg11 : memref<!tpu.dma_semaphore, #tpu.memory_space<semaphore_mem>>)
    %dma_wait3A_14 = arith.constant 0 : i32
    %dma_wait3A_15 = arith.constant 0 : i32
    %dma_wait3A_16 = tpu.memref_slice %arg2[%dma_wait3A_14, %dma_wait3A_15] : memref<6144x768xf32, #tpu.memory_space<hbm>> -> memref<6144x768xf32, #tpu.memory_space<hbm>>
    tpu.wait_indirect_dma semaphore(%arg12 : memref<!tpu.dma_semaphore, #tpu.memory_space<semaphore_mem>>) src(%dma_wait3A_16 : memref<6144x768xf32, #tpu.memory_space<hbm>>) dst(%arg10 : memref<64x768xf32, #tpu.memory_space<vmem>>)
    %dma_start3A_17 = arith.constant 0 : i32
    %dma_start3A_18 = tpu.memref_slice %arg6[%mul3A_2, %dma_start3A_17] : memref<2048x768xf32, #tpu.memory_space<hbm>> -> memref<64x768xf32, #tpu.memory_space<hbm>>
    %dma_start3A_19 = arith.constant 0 : i32
    %dma_start3A_20 = tpu.memref_slice %arg6[%mul3A_2, %dma_start3A_19] : memref<2048x768xf32, #tpu.memory_space<hbm>> -> memref<64x768xf32, #tpu.memory_space<hbm>>
    tpu.enqueue_dma source(%arg10 : memref<64x768xf32, #tpu.memory_space<vmem>>) target(%dma_start3A_20 : memref<64x768xf32, #tpu.memory_space<hbm>>) target_semaphore(%arg12 : memref<!tpu.dma_semaphore, #tpu.memory_space<semaphore_mem>>)
    %dma_wait3A_21 = arith.constant 0 : i32
    %dma_wait3A_22 = tpu.memref_slice %arg5[%mul3A_2, %dma_wait3A_21] : memref<2048x768xf32, #tpu.memory_space<hbm>> -> memref<64x768xf32, #tpu.memory_space<hbm>>
    %dma_wait3A_23 = arith.constant 0 : i32
    %dma_wait3A_24 = tpu.memref_slice %arg5[%mul3A_2, %dma_wait3A_23] : memref<2048x768xf32, #tpu.memory_space<hbm>> -> memref<64x768xf32, #tpu.memory_space<hbm>>
    tpu.wait_dma2 semaphore(%arg11 : memref<!tpu.dma_semaphore, #tpu.memory_space<semaphore_mem>>) src(%arg9 : memref<64x768xf32, #tpu.memory_space<vmem>>) dst(%dma_wait3A_24 : memref<64x768xf32, #tpu.memory_space<hbm>>)
    %dma_wait3A_25 = arith.constant 0 : i32
    %dma_wait3A_26 = tpu.memref_slice %arg6[%mul3A_2, %dma_wait3A_25] : memref<2048x768xf32, #tpu.memory_space<hbm>> -> memref<64x768xf32, #tpu.memory_space<hbm>>
    %dma_wait3A_27 = arith.constant 0 : i32
    %dma_wait3A_28 = tpu.memref_slice %arg6[%mul3A_2, %dma_wait3A_27] : memref<2048x768xf32, #tpu.memory_space<hbm>> -> memref<64x768xf32, #tpu.memory_space<hbm>>
    tpu.wait_dma2 semaphore(%arg12 : memref<!tpu.dma_semaphore, #tpu.memory_space<semaphore_mem>>) src(%arg10 : memref<64x768xf32, #tpu.memory_space<vmem>>) dst(%dma_wait3A_28 : memref<64x768xf32, #tpu.memory_space<hbm>>)
    return
  }
}

#map = affine_map<(d0, d1) -> (0, 0)>
#map1 = affine_map<(d0, d1) -> (0)>
module attributes {stable_mosaic.version = 14 : i64} {
  func.func @_dispatch_body(%arg0: i32, %arg1: i32, %arg2: memref<2048x768xf32, #tpu.memory_space<hbm>>, %arg3: memref<2048xi32, #tpu.memory_space<hbm>>, %arg4: memref<2048xi32, #tpu.memory_space<hbm>>, %arg5: memref<6144x768xf32, #tpu.memory_space<hbm>>, %arg6: memref<64xi32, #tpu.memory_space<vmem>>, %arg7: memref<64xi32, #tpu.memory_space<vmem>>, %arg8: memref<64x768xf32, #tpu.memory_space<vmem>>, %arg9: memref<!tpu.dma_semaphore, #tpu.memory_space<semaphore_mem>>, %arg10: memref<!tpu.dma_semaphore, #tpu.memory_space<semaphore_mem>>) attributes {dimension_semantics = [#tpu.dimension_semantics<core_parallel>, #tpu.dimension_semantics<subcore_parallel>], iteration_bounds = array<i64: 2, 16>, scalar_prefetch = 0 : i64, scratch_operands = 5 : i64, tpu.core_type = #tpu.core_type<sc_vector_subcore>, window_params = [{transform_indices = #map}, {transform_indices = #map1}, {transform_indices = #map1}, {transform_indices = #map}]} {
    %mul3A = arith.constant 2 : i32
    %mul3A_0 = arith.muli %arg1, %mul3A : i32
    %add3A = arith.addi %mul3A_0, %arg0 : i32
    %mul3A_1 = arith.constant 64 : i32
    %mul3A_2 = arith.muli %add3A, %mul3A_1 : i32
    %dma_start3A = arith.constant 0 : i32
    %dma_start3A_3 = tpu.memref_slice %arg2[%mul3A_2, %dma_start3A] : memref<2048x768xf32, #tpu.memory_space<hbm>> -> memref<64x768xf32, #tpu.memory_space<hbm>>
    %dma_start3A_4 = arith.constant 0 : i32
    %dma_start3A_5 = tpu.memref_slice %arg2[%mul3A_2, %dma_start3A_4] : memref<2048x768xf32, #tpu.memory_space<hbm>> -> memref<64x768xf32, #tpu.memory_space<hbm>>
    tpu.enqueue_dma source(%dma_start3A_5 : memref<64x768xf32, #tpu.memory_space<hbm>>) target(%arg8 : memref<64x768xf32, #tpu.memory_space<vmem>>) target_semaphore(%arg9 : memref<!tpu.dma_semaphore, #tpu.memory_space<semaphore_mem>>)
    "tpu.region"() ({
      %run_scoped3A = tpu.sem_alloc : memref<!tpu.dma_semaphore, #tpu.memory_space<semaphore_mem>>
      %dma_start3A_21 = tpu.memref_slice %arg3[%mul3A_2] : memref<2048xi32, #tpu.memory_space<hbm>> -> memref<64xi32, #tpu.memory_space<hbm>>
      %dma_start3A_22 = tpu.memref_slice %arg3[%mul3A_2] : memref<2048xi32, #tpu.memory_space<hbm>> -> memref<64xi32, #tpu.memory_space<hbm>>
      tpu.enqueue_dma source(%dma_start3A_22 : memref<64xi32, #tpu.memory_space<hbm>>) target(%arg6 : memref<64xi32, #tpu.memory_space<vmem>>) target_semaphore(%run_scoped3A : memref<!tpu.dma_semaphore, #tpu.memory_space<semaphore_mem>>)
      %dma_wait3A_23 = tpu.memref_slice %arg3[%mul3A_2] : memref<2048xi32, #tpu.memory_space<hbm>> -> memref<64xi32, #tpu.memory_space<hbm>>
      %dma_wait3A_24 = tpu.memref_slice %arg3[%mul3A_2] : memref<2048xi32, #tpu.memory_space<hbm>> -> memref<64xi32, #tpu.memory_space<hbm>>
      tpu.wait_dma2 semaphore(%run_scoped3A : memref<!tpu.dma_semaphore, #tpu.memory_space<semaphore_mem>>) src(%dma_wait3A_24 : memref<64xi32, #tpu.memory_space<hbm>>) dst(%arg6 : memref<64xi32, #tpu.memory_space<vmem>>)
      tpu.yield
    }) : () -> ()
    "tpu.region"() ({
      %run_scoped3A = tpu.sem_alloc : memref<!tpu.dma_semaphore, #tpu.memory_space<semaphore_mem>>
      %dma_start3A_21 = tpu.memref_slice %arg4[%mul3A_2] : memref<2048xi32, #tpu.memory_space<hbm>> -> memref<64xi32, #tpu.memory_space<hbm>>
      %dma_start3A_22 = tpu.memref_slice %arg4[%mul3A_2] : memref<2048xi32, #tpu.memory_space<hbm>> -> memref<64xi32, #tpu.memory_space<hbm>>
      tpu.enqueue_dma source(%dma_start3A_22 : memref<64xi32, #tpu.memory_space<hbm>>) target(%arg7 : memref<64xi32, #tpu.memory_space<vmem>>) target_semaphore(%run_scoped3A : memref<!tpu.dma_semaphore, #tpu.memory_space<semaphore_mem>>)
      %dma_wait3A_23 = tpu.memref_slice %arg4[%mul3A_2] : memref<2048xi32, #tpu.memory_space<hbm>> -> memref<64xi32, #tpu.memory_space<hbm>>
      %dma_wait3A_24 = tpu.memref_slice %arg4[%mul3A_2] : memref<2048xi32, #tpu.memory_space<hbm>> -> memref<64xi32, #tpu.memory_space<hbm>>
      tpu.wait_dma2 semaphore(%run_scoped3A : memref<!tpu.dma_semaphore, #tpu.memory_space<semaphore_mem>>) src(%dma_wait3A_24 : memref<64xi32, #tpu.memory_space<hbm>>) dst(%arg7 : memref<64xi32, #tpu.memory_space<vmem>>)
      tpu.yield
    }) : () -> ()
    %dma_wait3A = arith.constant 0 : i32
    %dma_wait3A_6 = tpu.memref_slice %arg2[%mul3A_2, %dma_wait3A] : memref<2048x768xf32, #tpu.memory_space<hbm>> -> memref<64x768xf32, #tpu.memory_space<hbm>>
    %dma_wait3A_7 = arith.constant 0 : i32
    %dma_wait3A_8 = tpu.memref_slice %arg2[%mul3A_2, %dma_wait3A_7] : memref<2048x768xf32, #tpu.memory_space<hbm>> -> memref<64x768xf32, #tpu.memory_space<hbm>>
    tpu.wait_dma2 semaphore(%arg9 : memref<!tpu.dma_semaphore, #tpu.memory_space<semaphore_mem>>) src(%dma_wait3A_8 : memref<64x768xf32, #tpu.memory_space<hbm>>) dst(%arg8 : memref<64x768xf32, #tpu.memory_space<vmem>>)
    %dma_start3A_9 = arith.constant 0 : i32
    %dma_start3A_10 = arith.constant 0 : i32
    %dma_start3A_11 = tpu.memref_slice %arg5[%dma_start3A_9, %dma_start3A_10] : memref<6144x768xf32, #tpu.memory_space<hbm>> -> memref<6144x768xf32, #tpu.memory_space<hbm>>
    tpu.enqueue_indirect_dma source(%arg8 : memref<64x768xf32, #tpu.memory_space<vmem>>) target(%dma_start3A_11 : memref<6144x768xf32, #tpu.memory_space<hbm>>) offsets(%arg6 : memref<64xi32, #tpu.memory_space<vmem>>) semaphore(%arg9 : memref<!tpu.dma_semaphore, #tpu.memory_space<semaphore_mem>>)
    %dma_start3A_12 = arith.constant 0 : i32
    %dma_start3A_13 = arith.constant 0 : i32
    %dma_start3A_14 = tpu.memref_slice %arg5[%dma_start3A_12, %dma_start3A_13] : memref<6144x768xf32, #tpu.memory_space<hbm>> -> memref<6144x768xf32, #tpu.memory_space<hbm>>
    tpu.enqueue_indirect_dma source(%arg8 : memref<64x768xf32, #tpu.memory_space<vmem>>) target(%dma_start3A_14 : memref<6144x768xf32, #tpu.memory_space<hbm>>) offsets(%arg7 : memref<64xi32, #tpu.memory_space<vmem>>) semaphore(%arg10 : memref<!tpu.dma_semaphore, #tpu.memory_space<semaphore_mem>>)
    %dma_wait3A_15 = arith.constant 0 : i32
    %dma_wait3A_16 = arith.constant 0 : i32
    %dma_wait3A_17 = tpu.memref_slice %arg5[%dma_wait3A_15, %dma_wait3A_16] : memref<6144x768xf32, #tpu.memory_space<hbm>> -> memref<6144x768xf32, #tpu.memory_space<hbm>>
    tpu.wait_indirect_dma semaphore(%arg9 : memref<!tpu.dma_semaphore, #tpu.memory_space<semaphore_mem>>) src(%arg8 : memref<64x768xf32, #tpu.memory_space<vmem>>) dst(%dma_wait3A_17 : memref<6144x768xf32, #tpu.memory_space<hbm>>)
    %dma_wait3A_18 = arith.constant 0 : i32
    %dma_wait3A_19 = arith.constant 0 : i32
    %dma_wait3A_20 = tpu.memref_slice %arg5[%dma_wait3A_18, %dma_wait3A_19] : memref<6144x768xf32, #tpu.memory_space<hbm>> -> memref<6144x768xf32, #tpu.memory_space<hbm>>
    tpu.wait_indirect_dma semaphore(%arg10 : memref<!tpu.dma_semaphore, #tpu.memory_space<semaphore_mem>>) src(%arg8 : memref<64x768xf32, #tpu.memory_space<vmem>>) dst(%dma_wait3A_20 : memref<6144x768xf32, #tpu.memory_space<hbm>>)
    return
  }
}

module attributes {stable_mosaic.version = 14 : i64} {
  func.func @_expert_body(%arg0: i32, %arg1: memref<1xi32, #tpu.memory_space<smem>>, %arg2: memref<24xi32, #tpu.memory_space<smem>>, %arg3: memref<256x768xf32, #tpu.memory_space<vmem>>, %arg4: memref<1x3072x768xbf16, #tpu.memory_space<vmem>>, %arg5: memref<1x768x3072xbf16, #tpu.memory_space<vmem>>, %arg6: memref<256x768xf32, #tpu.memory_space<vmem>>) attributes {dimension_semantics = [#tpu.dimension_semantics<arbitrary>], iteration_bounds = array<i64: 24>, scalar_prefetch = 2 : i64, scratch_operands = 0 : i64, tpu.core_type = #tpu.core_type<tc>, window_params = [{transform_indices = @transform_0, window_bounds = array<i64: 256, 768>}, {transform_indices = @transform_1, window_bounds = array<i64: 1, 3072, 768>}, {transform_indices = @transform_2, window_bounds = array<i64: 1, 768, 3072>}, {transform_indices = @transform_3, window_bounds = array<i64: 256, 768>}]} {
    %get3A = arith.constant 0 : index
    %get3A_0 = memref.load %arg1[%get3A] : memref<1xi32, #tpu.memory_space<smem>>
    %lt3A = arith.cmpi slt, %arg0, %get3A_0 : i32
    %convert_element_type3A = arith.extui %lt3A : i1 to i32
    %cond3A = arith.constant 0 : i32
    %cond3A_1 = arith.cmpi ne, %convert_element_type3A, %cond3A : i32
    scf.if %cond3A_1 {
      %get3A_2 = arith.constant 0 : index
      %get3A_3 = arith.constant 0 : index
      %get3A_4 = vector.load %arg3[%get3A_2, %get3A_3] : memref<256x768xf32, #tpu.memory_space<vmem>>, vector<256x768xf32>
      %convert_element_type3A_5 = arith.truncf %get3A_4 : vector<256x768xf32> to vector<256x768xbf16>
      %get3A_6 = arith.constant 0 : index
      %get3A_7 = arith.constant 0 : index
      %get3A_8 = arith.constant 0 : index
      %get3A_9 = vector.load %arg4[%get3A_6, %get3A_7, %get3A_8] : memref<1x3072x768xbf16, #tpu.memory_space<vmem>>, vector<1x3072x768xbf16>
      %get3A_10 = vector.shape_cast %get3A_9 : vector<1x3072x768xbf16> to vector<3072x768xbf16>
      %dot_general3A = arith.constant dense<0.000000e+00> : vector<256x3072xf32>
      %dot_general3A_11 = tpu.matmul %convert_element_type3A_5, %get3A_10, %dot_general3A {dimension_numbers = #tpu.dot_dimension_numbers<[1], [1], [0], [0], [0, 0, 1, 0], [], []>, transpose_lhs_hint = false} : vector<256x768xbf16>, vector<3072x768xbf16>, vector<256x3072xf32> -> vector<256x3072xf32>
      %mul3A = arith.constant 5.000000e-01 : f32
      %mul3A_12 = vector.broadcast %mul3A : f32 to vector<256x3072xf32>
      %mul3A_13 = arith.mulf %mul3A_12, %dot_general3A_11 : vector<256x3072xf32>
      %mul3A_14 = arith.constant 0.707106769 : f32
      %mul3A_15 = vector.broadcast %mul3A_14 : f32 to vector<256x3072xf32>
      %mul3A_16 = arith.mulf %dot_general3A_11, %mul3A_15 : vector<256x3072xf32>
      %erf3A = math.erf %mul3A_16 : vector<256x3072xf32>
      %add3A = arith.constant 1.000000e+00 : f32
      %add3A_17 = vector.broadcast %add3A : f32 to vector<256x3072xf32>
      %add3A_18 = arith.addf %add3A_17, %erf3A : vector<256x3072xf32>
      %mul3A_19 = arith.mulf %mul3A_13, %add3A_18 : vector<256x3072xf32>
      %convert_element_type3A_20 = arith.truncf %mul3A_19 : vector<256x3072xf32> to vector<256x3072xbf16>
      %get3A_21 = arith.constant 0 : index
      %get3A_22 = arith.constant 0 : index
      %get3A_23 = arith.constant 0 : index
      %get3A_24 = vector.load %arg5[%get3A_21, %get3A_22, %get3A_23] : memref<1x768x3072xbf16, #tpu.memory_space<vmem>>, vector<1x768x3072xbf16>
      %get3A_25 = vector.shape_cast %get3A_24 : vector<1x768x3072xbf16> to vector<768x3072xbf16>
      %dot_general3A_26 = arith.constant dense<0.000000e+00> : vector<256x768xf32>
      %dot_general3A_27 = tpu.matmul %convert_element_type3A_20, %get3A_25, %dot_general3A_26 {dimension_numbers = #tpu.dot_dimension_numbers<[1], [1], [0], [0], [0, 0, 1, 0], [], []>, transpose_lhs_hint = false} : vector<256x3072xbf16>, vector<768x3072xbf16>, vector<256x768xf32> -> vector<256x768xf32>
      %swap3A = arith.constant 0 : index
      %swap3A_28 = arith.constant 0 : index
      %swap3A_29 = vector.load %arg6[%swap3A, %swap3A_28] : memref<256x768xf32, #tpu.memory_space<vmem>>, vector<256x768xf32>
      tpu.vector_store %arg6[%swap3A, %swap3A_28], %dot_general3A_27 {strides = array<i32>} : memref<256x768xf32, #tpu.memory_space<vmem>>, vector<256x768xf32>,
    } else {
    }
    return
  }
  func.func @transform_0(%arg0: i32, %arg1: memref<1xi32, #tpu.memory_space<smem>>, %arg2: memref<24xi32, #tpu.memory_space<smem>>) -> (i32, i32) {
    %get3A = arith.constant 0 : index
    %get3A_0 = memref.load %arg1[%get3A] : memref<1xi32, #tpu.memory_space<smem>>
    %sub3A = arith.constant 1 : i32
    %sub3A_1 = arith.subi %get3A_0, %sub3A : i32
    %min3A = arith.minsi %arg0, %sub3A_1 : i32
    %c0_i32 = arith.constant 0 : i32
    %c0_i32_2 = arith.constant 0 : i32
    return %min3A, %c0_i32 : i32, i32
  }
  func.func @transform_1(%arg0: i32, %arg1: memref<1xi32, #tpu.memory_space<smem>>, %arg2: memref<24xi32, #tpu.memory_space<smem>>) -> (i32, i32, i32) {
    %get3A = arith.index_cast %arg0 : i32 to index
    %get3A_0 = memref.load %arg2[%get3A] : memref<24xi32, #tpu.memory_space<smem>>
    %c0_i32 = arith.constant 0 : i32
    %c0_i32_1 = arith.constant 0 : i32
    %c0_i32_2 = arith.constant 0 : i32
    return %get3A_0, %c0_i32, %c0_i32_1 : i32, i32, i32
  }
  func.func @transform_2(%arg0: i32, %arg1: memref<1xi32, #tpu.memory_space<smem>>, %arg2: memref<24xi32, #tpu.memory_space<smem>>) -> (i32, i32, i32) {
    %get3A = arith.index_cast %arg0 : i32 to index
    %get3A_0 = memref.load %arg2[%get3A] : memref<24xi32, #tpu.memory_space<smem>>
    %c0_i32 = arith.constant 0 : i32
    %c0_i32_1 = arith.constant 0 : i32
    %c0_i32_2 = arith.constant 0 : i32
    return %get3A_0, %c0_i32, %c0_i32_1 : i32, i32, i32
  }
  func.func @transform_3(%arg0: i32, %arg1: memref<1xi32, #tpu.memory_space<smem>>, %arg2: memref<24xi32, #tpu.memory_space<smem>>) -> (i32, i32) {
    %get3A = arith.constant 0 : index
    %get3A_0 = memref.load %arg1[%get3A] : memref<1xi32, #tpu.memory_space<smem>>
    %sub3A = arith.constant 1 : i32
    %sub3A_1 = arith.subi %get3A_0, %sub3A : i32
    %min3A = arith.minsi %arg0, %sub3A_1 : i32
    %c0_i32 = arith.constant 0 : i32
    %c0_i32_2 = arith.constant 0 : i32
    return %min3A, %c0_i32 : i32, i32
  }
}

module attributes {stable_mosaic.version = 14 : i64} {
  func.func @_routing_body(%arg0: memref<2048x768xf32, #tpu.memory_space<vmem>>, %arg1: memref<8x768xf32, #tpu.memory_space<vmem>>, %arg2: memref<8xf32, #tpu.memory_space<vmem>>, %arg3: memref<2048xi32, #tpu.memory_space<vmem>>, %arg4: memref<2048xi32, #tpu.memory_space<vmem>>, %arg5: memref<2048x1xf32, #tpu.memory_space<vmem>>, %arg6: memref<2048x1xf32, #tpu.memory_space<vmem>>, %arg7: memref<24xi32, #tpu.memory_space<vmem>>, %arg8: memref<1xi32, #tpu.memory_space<vmem>>, %arg9: memref<2048x8xf32, #tpu.memory_space<vmem>>) attributes {dimension_semantics = [], scalar_prefetch = 0 : i64, scratch_operands = 1 : i64, tpu.core_type = #tpu.core_type<tc>} {
    %get3A = arith.constant 0 : index
    %get3A_0 = arith.constant 0 : index
    %get3A_1 = vector.load %arg0[%get3A, %get3A_0] : memref<2048x768xf32, #tpu.memory_space<vmem>>, vector<2048x768xf32>
    %get3A_2 = arith.constant 0 : index
    %get3A_3 = arith.constant 0 : index
    %get3A_4 = vector.load %arg1[%get3A_2, %get3A_3] : memref<8x768xf32, #tpu.memory_space<vmem>>, vector<8x768xf32>
    %dot_general3A = arith.constant dense<0.000000e+00> : vector<2048x8xf32>
    %dot_general3A_5 = tpu.matmul %get3A_1, %get3A_4, %dot_general3A {dimension_numbers = #tpu.dot_dimension_numbers<[1], [1], [0], [0], [0, 0, 1, 0], [], []>, transpose_lhs_hint = false} : vector<2048x768xf32>, vector<8x768xf32>, vector<2048x8xf32> -> vector<2048x8xf32>
    %get3A_6 = arith.constant 0 : index
    %get3A_7 = vector.load %arg2[%get3A_6] : memref<8xf32, #tpu.memory_space<vmem>>, vector<8xf32>
    %broadcast_in_dim3A = vector.shape_cast %get3A_7 : vector<8xf32> to vector<1x8xf32>
    %add3A = vector.broadcast %broadcast_in_dim3A : vector<1x8xf32> to vector<2048x8xf32>
    %add3A_8 = arith.addf %dot_general3A_5, %add3A : vector<2048x8xf32>
    %iota3A = tpu.iota {dimensions = array<i32: 0>} : vector<8x8xi32>
    %iota3A_9 = tpu.iota {dimensions = array<i32: 1>} : vector<8x8xi32>
    %lt3A = arith.cmpi slt, %iota3A, %iota3A_9 : vector<8x8xi32>
    %convert_element_type3A = arith.extui %lt3A : vector<8x8xi1> to vector<8x8xi32>
    %convert_element_type3A_10 = arith.sitofp %convert_element_type3A : vector<8x8xi32> to vector<8x8xf32>
    %reduce_max3A = arith.constant dense<0xFF800000> : vector<2048xf32>
    %reduce_max3A_11 = vector.multi_reduction <maximumf>, %add3A_8, %reduce_max3A [1] : vector<2048x8xf32> to vector<2048xf32>
    %broadcast_in_dim3A_12 = vector.shape_cast %reduce_max3A_11 : vector<2048xf32> to vector<2048x1xf32>
    %eq3A = vector.broadcast %broadcast_in_dim3A_12 : vector<2048x1xf32> to vector<2048x8xf32>
    %eq3A_13 = arith.cmpf oeq, %add3A_8, %eq3A : vector<2048x8xf32>
    %convert_element_type3A_14 = arith.extui %eq3A_13 : vector<2048x8xi1> to vector<2048x8xi32>
    %convert_element_type3A_15 = arith.sitofp %convert_element_type3A_14 : vector<2048x8xi32> to vector<2048x8xf32>
    %dot_general3A_16 = arith.constant dense<0.000000e+00> : vector<2048x8xf32>
    %dot_general3A_17 = tpu.matmul %convert_element_type3A_15, %convert_element_type3A_10, %dot_general3A_16 {dimension_numbers = #tpu.dot_dimension_numbers<[1], [0], [0], [1], [0, 0, 1, 1], [], []>, transpose_lhs_hint = false} : vector<2048x8xf32>, vector<8x8xf32>, vector<2048x8xf32> -> vector<2048x8xf32>
    %gt3A = arith.constant 0.000000e+00 : f32
    %gt3A_18 = vector.broadcast %gt3A : f32 to vector<2048x8xf32>
    %gt3A_19 = arith.cmpf ogt, %convert_element_type3A_15, %gt3A_18 : vector<2048x8xf32>
    %eq3A_20 = arith.constant 0.000000e+00 : f32
    %eq3A_21 = vector.broadcast %eq3A_20 : f32 to vector<2048x8xf32>
    %eq3A_22 = arith.cmpf oeq, %dot_general3A_17, %eq3A_21 : vector<2048x8xf32>
    %and3A = arith.andi %gt3A_19, %eq3A_22 : vector<2048x8xi1>
    %jit3A = arith.constant 1.000000e+00 : f32
    %jit3A_23 = arith.constant 0.000000e+00 : f32
    %broadcast_in_dim3A_24 = vector.broadcast %jit3A : f32 to vector<2048x8xf32>
    %broadcast_in_dim3A_25 = vector.broadcast %jit3A_23 : f32 to vector<2048x8xf32>
    %select_n3A = arith.select %and3A, %broadcast_in_dim3A_24, %broadcast_in_dim3A_25 : vector<2048x8xi1>, vector<2048x8xf32>
    %gt3A_26 = arith.constant 0.000000e+00 : f32
    %gt3A_27 = vector.broadcast %gt3A_26 : f32 to vector<2048x8xf32>
    %gt3A_28 = arith.cmpf ogt, %select_n3A, %gt3A_27 : vector<2048x8xf32>
    %jit3A_29 = arith.constant -1.000000e+30 : f32
    %broadcast_in_dim3A_30 = vector.broadcast %jit3A_29 : f32 to vector<2048x8xf32>
    %select_n3A_31 = arith.select %gt3A_28, %broadcast_in_dim3A_30, %add3A_8 : vector<2048x8xi1>, vector<2048x8xf32>
    %reduce_max3A_32 = arith.constant dense<0xFF800000> : vector<2048xf32>
    %reduce_max3A_33 = vector.multi_reduction <maximumf>, %select_n3A_31, %reduce_max3A_32 [1] : vector<2048x8xf32> to vector<2048xf32>
    %broadcast_in_dim3A_34 = vector.shape_cast %reduce_max3A_33 : vector<2048xf32> to vector<2048x1xf32>
    %eq3A_35 = vector.broadcast %broadcast_in_dim3A_34 : vector<2048x1xf32> to vector<2048x8xf32>
    %eq3A_36 = arith.cmpf oeq, %select_n3A_31, %eq3A_35 : vector<2048x8xf32>
    %convert_element_type3A_37 = arith.extui %eq3A_36 : vector<2048x8xi1> to vector<2048x8xi32>
    %convert_element_type3A_38 = arith.sitofp %convert_element_type3A_37 : vector<2048x8xi32> to vector<2048x8xf32>
    %dot_general3A_39 = arith.constant dense<0.000000e+00> : vector<2048x8xf32>
    %dot_general3A_40 = tpu.matmul %convert_element_type3A_38, %convert_element_type3A_10, %dot_general3A_39 {dimension_numbers = #tpu.dot_dimension_numbers<[1], [0], [0], [1], [0, 0, 1, 1], [], []>, transpose_lhs_hint = false} : vector<2048x8xf32>, vector<8x8xf32>, vector<2048x8xf32> -> vector<2048x8xf32>
    %gt3A_41 = arith.constant 0.000000e+00 : f32
    %gt3A_42 = vector.broadcast %gt3A_41 : f32 to vector<2048x8xf32>
    %gt3A_43 = arith.cmpf ogt, %convert_element_type3A_38, %gt3A_42 : vector<2048x8xf32>
    %eq3A_44 = arith.constant 0.000000e+00 : f32
    %eq3A_45 = vector.broadcast %eq3A_44 : f32 to vector<2048x8xf32>
    %eq3A_46 = arith.cmpf oeq, %dot_general3A_40, %eq3A_45 : vector<2048x8xf32>
    %and3A_47 = arith.andi %gt3A_43, %eq3A_46 : vector<2048x8xi1>
    %jit3A_48 = arith.constant 1.000000e+00 : f32
    %jit3A_49 = arith.constant 0.000000e+00 : f32
    %broadcast_in_dim3A_50 = vector.broadcast %jit3A_48 : f32 to vector<2048x8xf32>
    %broadcast_in_dim3A_51 = vector.broadcast %jit3A_49 : f32 to vector<2048x8xf32>
    %select_n3A_52 = arith.select %and3A_47, %broadcast_in_dim3A_50, %broadcast_in_dim3A_51 : vector<2048x8xi1>, vector<2048x8xf32>
    %sub3A = arith.subf %broadcast_in_dim3A_34, %broadcast_in_dim3A_12 : vector<2048x1xf32>
    %exp3A = math.exp %sub3A : vector<2048x1xf32>
    %add3A_53 = arith.constant 1.000000e+00 : f32
    %add3A_54 = vector.broadcast %add3A_53 : f32 to vector<2048x1xf32>
    %add3A_55 = arith.addf %add3A_54, %exp3A : vector<2048x1xf32>
    %div3A = arith.constant 1.000000e+00 : f32
    %div3A_56 = vector.broadcast %div3A : f32 to vector<2048x1xf32>
    %div3A_57 = arith.divf %div3A_56, %add3A_55 : vector<2048x1xf32>
    %swap3A = arith.constant 0 : index
    %swap3A_58 = arith.constant 0 : index
    %swap3A_59 = vector.load %arg5[%swap3A, %swap3A_58] : memref<2048x1xf32, #tpu.memory_space<vmem>>, vector<2048x1xf32>
    tpu.vector_store %arg5[%swap3A, %swap3A_58], %div3A_57 {strides = array<i32>} : memref<2048x1xf32, #tpu.memory_space<vmem>>, vector<2048x1xf32>,
    %add3A_60 = arith.constant 1.000000e+00 : f32
    %add3A_61 = vector.broadcast %add3A_60 : f32 to vector<2048x1xf32>
    %add3A_62 = arith.addf %add3A_61, %exp3A : vector<2048x1xf32>
    %div3A_63 = arith.divf %exp3A, %add3A_62 : vector<2048x1xf32>
    %swap3A_64 = arith.constant 0 : index
    %swap3A_65 = arith.constant 0 : index
    %swap3A_66 = vector.load %arg6[%swap3A_64, %swap3A_65] : memref<2048x1xf32, #tpu.memory_space<vmem>>, vector<2048x1xf32>
    tpu.vector_store %arg6[%swap3A_64, %swap3A_65], %div3A_63 {strides = array<i32>} : memref<2048x1xf32, #tpu.memory_space<vmem>>, vector<2048x1xf32>,
    %add3A_67 = arith.addf %select_n3A, %select_n3A_52 : vector<2048x8xf32>
    %iota3A_68 = tpu.iota {dimensions = array<i32: 0>} : vector<128x128xi32>
    %iota3A_69 = tpu.iota {dimensions = array<i32: 1>} : vector<128x128xi32>
    %ge3A = arith.cmpi sge, %iota3A_68, %iota3A_69 : vector<128x128xi32>
    %convert_element_type3A_70 = arith.extui %ge3A : vector<128x128xi1> to vector<128x128xi32>
    %convert_element_type3A_71 = arith.sitofp %convert_element_type3A_70 : vector<128x128xi32> to vector<128x128xf32>
    %broadcast_in_dim3A_72 = arith.constant 0.000000e+00 : f32
    %broadcast_in_dim3A_73 = vector.broadcast %broadcast_in_dim3A_72 : f32 to vector<1x8xf32>
    %slice3A = vector.extract_strided_slice %add3A_67 {offsets = [0, 0], sizes = [128, 8], strides = [1, 1]} : vector<2048x8xf32> to vector<128x8xf32>
    %dot_general3A_74 = arith.constant dense<0.000000e+00> : vector<128x8xf32>
    %dot_general3A_75 = tpu.matmul %convert_element_type3A_71, %slice3A, %dot_general3A_74 {dimension_numbers = #tpu.dot_dimension_numbers<[1], [0], [0], [1], [0, 0, 1, 1], [], []>, transpose_lhs_hint = false} : vector<128x128xf32>, vector<128x8xf32>, vector<128x8xf32> -> vector<128x8xf32>
    %sub3A_76 = arith.subf %dot_general3A_75, %slice3A : vector<128x8xf32>
    %add3A_77 = vector.broadcast %broadcast_in_dim3A_73 : vector<1x8xf32> to vector<128x8xf32>
    %add3A_78 = arith.addf %sub3A_76, %add3A_77 : vector<128x8xf32>
    %swap3A_79 = arith.constant 0 : index
    %swap3A_80 = arith.constant 0 : index
    %swap3A_81 = vector.load %arg9[%swap3A_79, %swap3A_80] : memref<2048x8xf32, #tpu.memory_space<vmem>>, vector<128x8xf32>
    tpu.vector_store %arg9[%swap3A_79, %swap3A_80], %add3A_78 {strides = array<i32>} : memref<2048x8xf32, #tpu.memory_space<vmem>>, vector<128x8xf32>,
    %slice3A_82 = vector.extract_strided_slice %dot_general3A_75 {offsets = [127, 0], sizes = [1, 8], strides = [1, 1]} : vector<128x8xf32> to vector<1x8xf32>
    %add3A_83 = arith.addf %broadcast_in_dim3A_73, %slice3A_82 : vector<1x8xf32>
    %slice3A_84 = vector.extract_strided_slice %add3A_67 {offsets = [128, 0], sizes = [128, 8], strides = [1, 1]} : vector<2048x8xf32> to vector<128x8xf32>
    %dot_general3A_85 = arith.constant dense<0.000000e+00> : vector<128x8xf32>
    %dot_general3A_86 = tpu.matmul %convert_element_type3A_71, %slice3A_84, %dot_general3A_85 {dimension_numbers = #tpu.dot_dimension_numbers<[1], [0], [0], [1], [0, 0, 1, 1], [], []>, transpose_lhs_hint = false} : vector<128x128xf32>, vector<128x8xf32>, vector<128x8xf32> -> vector<128x8xf32>
    %sub3A_87 = arith.subf %dot_general3A_86, %slice3A_84 : vector<128x8xf32>
    %add3A_88 = vector.broadcast %add3A_83 : vector<1x8xf32> to vector<128x8xf32>
    %add3A_89 = arith.addf %sub3A_87, %add3A_88 : vector<128x8xf32>
    %swap3A_90 = arith.constant 128 : index
    %swap3A_91 = arith.constant 0 : index
    %swap3A_92 = vector.load %arg9[%swap3A_90, %swap3A_91] : memref<2048x8xf32, #tpu.memory_space<vmem>>, vector<128x8xf32>
    tpu.vector_store %arg9[%swap3A_90, %swap3A_91], %add3A_89 {strides = array<i32>} : memref<2048x8xf32, #tpu.memory_space<vmem>>, vector<128x8xf32>,
    %slice3A_93 = vector.extract_strided_slice %dot_general3A_86 {offsets = [127, 0], sizes = [1, 8], strides = [1, 1]} : vector<128x8xf32> to vector<1x8xf32>
    %add3A_94 = arith.addf %add3A_83, %slice3A_93 : vector<1x8xf32>
    %slice3A_95 = vector.extract_strided_slice %add3A_67 {offsets = [256, 0], sizes = [128, 8], strides = [1, 1]} : vector<2048x8xf32> to vector<128x8xf32>
    %dot_general3A_96 = arith.constant dense<0.000000e+00> : vector<128x8xf32>
    %dot_general3A_97 = tpu.matmul %convert_element_type3A_71, %slice3A_95, %dot_general3A_96 {dimension_numbers = #tpu.dot_dimension_numbers<[1], [0], [0], [1], [0, 0, 1, 1], [], []>, transpose_lhs_hint = false} : vector<128x128xf32>, vector<128x8xf32>, vector<128x8xf32> -> vector<128x8xf32>
    %sub3A_98 = arith.subf %dot_general3A_97, %slice3A_95 : vector<128x8xf32>
    %add3A_99 = vector.broadcast %add3A_94 : vector<1x8xf32> to vector<128x8xf32>
    %add3A_100 = arith.addf %sub3A_98, %add3A_99 : vector<128x8xf32>
    %swap3A_101 = arith.constant 256 : index
    %swap3A_102 = arith.constant 0 : index
    %swap3A_103 = vector.load %arg9[%swap3A_101, %swap3A_102] : memref<2048x8xf32, #tpu.memory_space<vmem>>, vector<128x8xf32>
    tpu.vector_store %arg9[%swap3A_101, %swap3A_102], %add3A_100 {strides = array<i32>} : memref<2048x8xf32, #tpu.memory_space<vmem>>, vector<128x8xf32>,
    %slice3A_104 = vector.extract_strided_slice %dot_general3A_97 {offsets = [127, 0], sizes = [1, 8], strides = [1, 1]} : vector<128x8xf32> to vector<1x8xf32>
    %add3A_105 = arith.addf %add3A_94, %slice3A_104 : vector<1x8xf32>
    %slice3A_106 = vector.extract_strided_slice %add3A_67 {offsets = [384, 0], sizes = [128, 8], strides = [1, 1]} : vector<2048x8xf32> to vector<128x8xf32>
    %dot_general3A_107 = arith.constant dense<0.000000e+00> : vector<128x8xf32>
    %dot_general3A_108 = tpu.matmul %convert_element_type3A_71, %slice3A_106, %dot_general3A_107 {dimension_numbers = #tpu.dot_dimension_numbers<[1], [0], [0], [1], [0, 0, 1, 1], [], []>, transpose_lhs_hint = false} : vector<128x128xf32>, vector<128x8xf32>, vector<128x8xf32> -> vector<128x8xf32>
    %sub3A_109 = arith.subf %dot_general3A_108, %slice3A_106 : vector<128x8xf32>
    %add3A_110 = vector.broadcast %add3A_105 : vector<1x8xf32> to vector<128x8xf32>
    %add3A_111 = arith.addf %sub3A_109, %add3A_110 : vector<128x8xf32>
    %swap3A_112 = arith.constant 384 : index
    %swap3A_113 = arith.constant 0 : index
    %swap3A_114 = vector.load %arg9[%swap3A_112, %swap3A_113] : memref<2048x8xf32, #tpu.memory_space<vmem>>, vector<128x8xf32>
    tpu.vector_store %arg9[%swap3A_112, %swap3A_113], %add3A_111 {strides = array<i32>} : memref<2048x8xf32, #tpu.memory_space<vmem>>, vector<128x8xf32>,
    %slice3A_115 = vector.extract_strided_slice %dot_general3A_108 {offsets = [127, 0], sizes = [1, 8], strides = [1, 1]} : vector<128x8xf32> to vector<1x8xf32>
    %add3A_116 = arith.addf %add3A_105, %slice3A_115 : vector<1x8xf32>
    %slice3A_117 = vector.extract_strided_slice %add3A_67 {offsets = [512, 0], sizes = [128, 8], strides = [1, 1]} : vector<2048x8xf32> to vector<128x8xf32>
    %dot_general3A_118 = arith.constant dense<0.000000e+00> : vector<128x8xf32>
    %dot_general3A_119 = tpu.matmul %convert_element_type3A_71, %slice3A_117, %dot_general3A_118 {dimension_numbers = #tpu.dot_dimension_numbers<[1], [0], [0], [1], [0, 0, 1, 1], [], []>, transpose_lhs_hint = false} : vector<128x128xf32>, vector<128x8xf32>, vector<128x8xf32> -> vector<128x8xf32>
    %sub3A_120 = arith.subf %dot_general3A_119, %slice3A_117 : vector<128x8xf32>
    %add3A_121 = vector.broadcast %add3A_116 : vector<1x8xf32> to vector<128x8xf32>
    %add3A_122 = arith.addf %sub3A_120, %add3A_121 : vector<128x8xf32>
    %swap3A_123 = arith.constant 512 : index
    %swap3A_124 = arith.constant 0 : index
    %swap3A_125 = vector.load %arg9[%swap3A_123, %swap3A_124] : memref<2048x8xf32, #tpu.memory_space<vmem>>, vector<128x8xf32>
    tpu.vector_store %arg9[%swap3A_123, %swap3A_124], %add3A_122 {strides = array<i32>} : memref<2048x8xf32, #tpu.memory_space<vmem>>, vector<128x8xf32>,
    %slice3A_126 = vector.extract_strided_slice %dot_general3A_119 {offsets = [127, 0], sizes = [1, 8], strides = [1, 1]} : vector<128x8xf32> to vector<1x8xf32>
    %add3A_127 = arith.addf %add3A_116, %slice3A_126 : vector<1x8xf32>
    %slice3A_128 = vector.extract_strided_slice %add3A_67 {offsets = [640, 0], sizes = [128, 8], strides = [1, 1]} : vector<2048x8xf32> to vector<128x8xf32>
    %dot_general3A_129 = arith.constant dense<0.000000e+00> : vector<128x8xf32>
    %dot_general3A_130 = tpu.matmul %convert_element_type3A_71, %slice3A_128, %dot_general3A_129 {dimension_numbers = #tpu.dot_dimension_numbers<[1], [0], [0], [1], [0, 0, 1, 1], [], []>, transpose_lhs_hint = false} : vector<128x128xf32>, vector<128x8xf32>, vector<128x8xf32> -> vector<128x8xf32>
    %sub3A_131 = arith.subf %dot_general3A_130, %slice3A_128 : vector<128x8xf32>
    %add3A_132 = vector.broadcast %add3A_127 : vector<1x8xf32> to vector<128x8xf32>
    %add3A_133 = arith.addf %sub3A_131, %add3A_132 : vector<128x8xf32>
    %swap3A_134 = arith.constant 640 : index
    %swap3A_135 = arith.constant 0 : index
    %swap3A_136 = vector.load %arg9[%swap3A_134, %swap3A_135] : memref<2048x8xf32, #tpu.memory_space<vmem>>, vector<128x8xf32>
    tpu.vector_store %arg9[%swap3A_134, %swap3A_135], %add3A_133 {strides = array<i32>} : memref<2048x8xf32, #tpu.memory_space<vmem>>, vector<128x8xf32>,
    %slice3A_137 = vector.extract_strided_slice %dot_general3A_130 {offsets = [127, 0], sizes = [1, 8], strides = [1, 1]} : vector<128x8xf32> to vector<1x8xf32>
    %add3A_138 = arith.addf %add3A_127, %slice3A_137 : vector<1x8xf32>
    %slice3A_139 = vector.extract_strided_slice %add3A_67 {offsets = [768, 0], sizes = [128, 8], strides = [1, 1]} : vector<2048x8xf32> to vector<128x8xf32>
    %dot_general3A_140 = arith.constant dense<0.000000e+00> : vector<128x8xf32>
    %dot_general3A_141 = tpu.matmul %convert_element_type3A_71, %slice3A_139, %dot_general3A_140 {dimension_numbers = #tpu.dot_dimension_numbers<[1], [0], [0], [1], [0, 0, 1, 1], [], []>, transpose_lhs_hint = false} : vector<128x128xf32>, vector<128x8xf32>, vector<128x8xf32> -> vector<128x8xf32>
    %sub3A_142 = arith.subf %dot_general3A_141, %slice3A_139 : vector<128x8xf32>
    %add3A_143 = vector.broadcast %add3A_138 : vector<1x8xf32> to vector<128x8xf32>
    %add3A_144 = arith.addf %sub3A_142, %add3A_143 : vector<128x8xf32>
    %swap3A_145 = arith.constant 768 : index
    %swap3A_146 = arith.constant 0 : index
    %swap3A_147 = vector.load %arg9[%swap3A_145, %swap3A_146] : memref<2048x8xf32, #tpu.memory_space<vmem>>, vector<128x8xf32>
    tpu.vector_store %arg9[%swap3A_145, %swap3A_146], %add3A_144 {strides = array<i32>} : memref<2048x8xf32, #tpu.memory_space<vmem>>, vector<128x8xf32>,
    %slice3A_148 = vector.extract_strided_slice %dot_general3A_141 {offsets = [127, 0], sizes = [1, 8], strides = [1, 1]} : vector<128x8xf32> to vector<1x8xf32>
    %add3A_149 = arith.addf %add3A_138, %slice3A_148 : vector<1x8xf32>
    %slice3A_150 = vector.extract_strided_slice %add3A_67 {offsets = [896, 0], sizes = [128, 8], strides = [1, 1]} : vector<2048x8xf32> to vector<128x8xf32>
    %dot_general3A_151 = arith.constant dense<0.000000e+00> : vector<128x8xf32>
    %dot_general3A_152 = tpu.matmul %convert_element_type3A_71, %slice3A_150, %dot_general3A_151 {dimension_numbers = #tpu.dot_dimension_numbers<[1], [0], [0], [1], [0, 0, 1, 1], [], []>, transpose_lhs_hint = false} : vector<128x128xf32>, vector<128x8xf32>, vector<128x8xf32> -> vector<128x8xf32>
    %sub3A_153 = arith.subf %dot_general3A_152, %slice3A_150 : vector<128x8xf32>
    %add3A_154 = vector.broadcast %add3A_149 : vector<1x8xf32> to vector<128x8xf32>
    %add3A_155 = arith.addf %sub3A_153, %add3A_154 : vector<128x8xf32>
    %swap3A_156 = arith.constant 896 : index
    %swap3A_157 = arith.constant 0 : index
    %swap3A_158 = vector.load %arg9[%swap3A_156, %swap3A_157] : memref<2048x8xf32, #tpu.memory_space<vmem>>, vector<128x8xf32>
    tpu.vector_store %arg9[%swap3A_156, %swap3A_157], %add3A_155 {strides = array<i32>} : memref<2048x8xf32, #tpu.memory_space<vmem>>, vector<128x8xf32>,
    %slice3A_159 = vector.extract_strided_slice %dot_general3A_152 {offsets = [127, 0], sizes = [1, 8], strides = [1, 1]} : vector<128x8xf32> to vector<1x8xf32>
    %add3A_160 = arith.addf %add3A_149, %slice3A_159 : vector<1x8xf32>
    %slice3A_161 = vector.extract_strided_slice %add3A_67 {offsets = [1024, 0], sizes = [128, 8], strides = [1, 1]} : vector<2048x8xf32> to vector<128x8xf32>
    %dot_general3A_162 = arith.constant dense<0.000000e+00> : vector<128x8xf32>
    %dot_general3A_163 = tpu.matmul %convert_element_type3A_71, %slice3A_161, %dot_general3A_162 {dimension_numbers = #tpu.dot_dimension_numbers<[1], [0], [0], [1], [0, 0, 1, 1], [], []>, transpose_lhs_hint = false} : vector<128x128xf32>, vector<128x8xf32>, vector<128x8xf32> -> vector<128x8xf32>
    %sub3A_164 = arith.subf %dot_general3A_163, %slice3A_161 : vector<128x8xf32>
    %add3A_165 = vector.broadcast %add3A_160 : vector<1x8xf32> to vector<128x8xf32>
    %add3A_166 = arith.addf %sub3A_164, %add3A_165 : vector<128x8xf32>
    %swap3A_167 = arith.constant 1024 : index
    %swap3A_168 = arith.constant 0 : index
    %swap3A_169 = vector.load %arg9[%swap3A_167, %swap3A_168] : memref<2048x8xf32, #tpu.memory_space<vmem>>, vector<128x8xf32>
    tpu.vector_store %arg9[%swap3A_167, %swap3A_168], %add3A_166 {strides = array<i32>} : memref<2048x8xf32, #tpu.memory_space<vmem>>, vector<128x8xf32>,
    %slice3A_170 = vector.extract_strided_slice %dot_general3A_163 {offsets = [127, 0], sizes = [1, 8], strides = [1, 1]} : vector<128x8xf32> to vector<1x8xf32>
    %add3A_171 = arith.addf %add3A_160, %slice3A_170 : vector<1x8xf32>
    %slice3A_172 = vector.extract_strided_slice %add3A_67 {offsets = [1152, 0], sizes = [128, 8], strides = [1, 1]} : vector<2048x8xf32> to vector<128x8xf32>
    %dot_general3A_173 = arith.constant dense<0.000000e+00> : vector<128x8xf32>
    %dot_general3A_174 = tpu.matmul %convert_element_type3A_71, %slice3A_172, %dot_general3A_173 {dimension_numbers = #tpu.dot_dimension_numbers<[1], [0], [0], [1], [0, 0, 1, 1], [], []>, transpose_lhs_hint = false} : vector<128x128xf32>, vector<128x8xf32>, vector<128x8xf32> -> vector<128x8xf32>
    %sub3A_175 = arith.subf %dot_general3A_174, %slice3A_172 : vector<128x8xf32>
    %add3A_176 = vector.broadcast %add3A_171 : vector<1x8xf32> to vector<128x8xf32>
    %add3A_177 = arith.addf %sub3A_175, %add3A_176 : vector<128x8xf32>
    %swap3A_178 = arith.constant 1152 : index
    %swap3A_179 = arith.constant 0 : index
    %swap3A_180 = vector.load %arg9[%swap3A_178, %swap3A_179] : memref<2048x8xf32, #tpu.memory_space<vmem>>, vector<128x8xf32>
    tpu.vector_store %arg9[%swap3A_178, %swap3A_179], %add3A_177 {strides = array<i32>} : memref<2048x8xf32, #tpu.memory_space<vmem>>, vector<128x8xf32>,
    %slice3A_181 = vector.extract_strided_slice %dot_general3A_174 {offsets = [127, 0], sizes = [1, 8], strides = [1, 1]} : vector<128x8xf32> to vector<1x8xf32>
    %add3A_182 = arith.addf %add3A_171, %slice3A_181 : vector<1x8xf32>
    %slice3A_183 = vector.extract_strided_slice %add3A_67 {offsets = [1280, 0], sizes = [128, 8], strides = [1, 1]} : vector<2048x8xf32> to vector<128x8xf32>
    %dot_general3A_184 = arith.constant dense<0.000000e+00> : vector<128x8xf32>
    %dot_general3A_185 = tpu.matmul %convert_element_type3A_71, %slice3A_183, %dot_general3A_184 {dimension_numbers = #tpu.dot_dimension_numbers<[1], [0], [0], [1], [0, 0, 1, 1], [], []>, transpose_lhs_hint = false} : vector<128x128xf32>, vector<128x8xf32>, vector<128x8xf32> -> vector<128x8xf32>
    %sub3A_186 = arith.subf %dot_general3A_185, %slice3A_183 : vector<128x8xf32>
    %add3A_187 = vector.broadcast %add3A_182 : vector<1x8xf32> to vector<128x8xf32>
    %add3A_188 = arith.addf %sub3A_186, %add3A_187 : vector<128x8xf32>
    %swap3A_189 = arith.constant 1280 : index
    %swap3A_190 = arith.constant 0 : index
    %swap3A_191 = vector.load %arg9[%swap3A_189, %swap3A_190] : memref<2048x8xf32, #tpu.memory_space<vmem>>, vector<128x8xf32>
    tpu.vector_store %arg9[%swap3A_189, %swap3A_190], %add3A_188 {strides = array<i32>} : memref<2048x8xf32, #tpu.memory_space<vmem>>, vector<128x8xf32>,
    %slice3A_192 = vector.extract_strided_slice %dot_general3A_185 {offsets = [127, 0], sizes = [1, 8], strides = [1, 1]} : vector<128x8xf32> to vector<1x8xf32>
    %add3A_193 = arith.addf %add3A_182, %slice3A_192 : vector<1x8xf32>
    %slice3A_194 = vector.extract_strided_slice %add3A_67 {offsets = [1408, 0], sizes = [128, 8], strides = [1, 1]} : vector<2048x8xf32> to vector<128x8xf32>
    %dot_general3A_195 = arith.constant dense<0.000000e+00> : vector<128x8xf32>
    %dot_general3A_196 = tpu.matmul %convert_element_type3A_71, %slice3A_194, %dot_general3A_195 {dimension_numbers = #tpu.dot_dimension_numbers<[1], [0], [0], [1], [0, 0, 1, 1], [], []>, transpose_lhs_hint = false} : vector<128x128xf32>, vector<128x8xf32>, vector<128x8xf32> -> vector<128x8xf32>
    %sub3A_197 = arith.subf %dot_general3A_196, %slice3A_194 : vector<128x8xf32>
    %add3A_198 = vector.broadcast %add3A_193 : vector<1x8xf32> to vector<128x8xf32>
    %add3A_199 = arith.addf %sub3A_197, %add3A_198 : vector<128x8xf32>
    %swap3A_200 = arith.constant 1408 : index
    %swap3A_201 = arith.constant 0 : index
    %swap3A_202 = vector.load %arg9[%swap3A_200, %swap3A_201] : memref<2048x8xf32, #tpu.memory_space<vmem>>, vector<128x8xf32>
    tpu.vector_store %arg9[%swap3A_200, %swap3A_201], %add3A_199 {strides = array<i32>} : memref<2048x8xf32, #tpu.memory_space<vmem>>, vector<128x8xf32>,
    %slice3A_203 = vector.extract_strided_slice %dot_general3A_196 {offsets = [127, 0], sizes = [1, 8], strides = [1, 1]} : vector<128x8xf32> to vector<1x8xf32>
    %add3A_204 = arith.addf %add3A_193, %slice3A_203 : vector<1x8xf32>
    %slice3A_205 = vector.extract_strided_slice %add3A_67 {offsets = [1536, 0], sizes = [128, 8], strides = [1, 1]} : vector<2048x8xf32> to vector<128x8xf32>
    %dot_general3A_206 = arith.constant dense<0.000000e+00> : vector<128x8xf32>
    %dot_general3A_207 = tpu.matmul %convert_element_type3A_71, %slice3A_205, %dot_general3A_206 {dimension_numbers = #tpu.dot_dimension_numbers<[1], [0], [0], [1], [0, 0, 1, 1], [], []>, transpose_lhs_hint = false} : vector<128x128xf32>, vector<128x8xf32>, vector<128x8xf32> -> vector<128x8xf32>
    %sub3A_208 = arith.subf %dot_general3A_207, %slice3A_205 : vector<128x8xf32>
    %add3A_209 = vector.broadcast %add3A_204 : vector<1x8xf32> to vector<128x8xf32>
    %add3A_210 = arith.addf %sub3A_208, %add3A_209 : vector<128x8xf32>
    %swap3A_211 = arith.constant 1536 : index
    %swap3A_212 = arith.constant 0 : index
    %swap3A_213 = vector.load %arg9[%swap3A_211, %swap3A_212] : memref<2048x8xf32, #tpu.memory_space<vmem>>, vector<128x8xf32>
    tpu.vector_store %arg9[%swap3A_211, %swap3A_212], %add3A_210 {strides = array<i32>} : memref<2048x8xf32, #tpu.memory_space<vmem>>, vector<128x8xf32>,
    %slice3A_214 = vector.extract_strided_slice %dot_general3A_207 {offsets = [127, 0], sizes = [1, 8], strides = [1, 1]} : vector<128x8xf32> to vector<1x8xf32>
    %add3A_215 = arith.addf %add3A_204, %slice3A_214 : vector<1x8xf32>
    %slice3A_216 = vector.extract_strided_slice %add3A_67 {offsets = [1664, 0], sizes = [128, 8], strides = [1, 1]} : vector<2048x8xf32> to vector<128x8xf32>
    %dot_general3A_217 = arith.constant dense<0.000000e+00> : vector<128x8xf32>
    %dot_general3A_218 = tpu.matmul %convert_element_type3A_71, %slice3A_216, %dot_general3A_217 {dimension_numbers = #tpu.dot_dimension_numbers<[1], [0], [0], [1], [0, 0, 1, 1], [], []>, transpose_lhs_hint = false} : vector<128x128xf32>, vector<128x8xf32>, vector<128x8xf32> -> vector<128x8xf32>
    %sub3A_219 = arith.subf %dot_general3A_218, %slice3A_216 : vector<128x8xf32>
    %add3A_220 = vector.broadcast %add3A_215 : vector<1x8xf32> to vector<128x8xf32>
    %add3A_221 = arith.addf %sub3A_219, %add3A_220 : vector<128x8xf32>
    %swap3A_222 = arith.constant 1664 : index
    %swap3A_223 = arith.constant 0 : index
    %swap3A_224 = vector.load %arg9[%swap3A_222, %swap3A_223] : memref<2048x8xf32, #tpu.memory_space<vmem>>, vector<128x8xf32>
    tpu.vector_store %arg9[%swap3A_222, %swap3A_223], %add3A_221 {strides = array<i32>} : memref<2048x8xf32, #tpu.memory_space<vmem>>, vector<128x8xf32>,
    %slice3A_225 = vector.extract_strided_slice %dot_general3A_218 {offsets = [127, 0], sizes = [1, 8], strides = [1, 1]} : vector<128x8xf32> to vector<1x8xf32>
    %add3A_226 = arith.addf %add3A_215, %slice3A_225 : vector<1x8xf32>
    %slice3A_227 = vector.extract_strided_slice %add3A_67 {offsets = [1792, 0], sizes = [128, 8], strides = [1, 1]} : vector<2048x8xf32> to vector<128x8xf32>
    %dot_general3A_228 = arith.constant dense<0.000000e+00> : vector<128x8xf32>
    %dot_general3A_229 = tpu.matmul %convert_element_type3A_71, %slice3A_227, %dot_general3A_228 {dimension_numbers = #tpu.dot_dimension_numbers<[1], [0], [0], [1], [0, 0, 1, 1], [], []>, transpose_lhs_hint = false} : vector<128x128xf32>, vector<128x8xf32>, vector<128x8xf32> -> vector<128x8xf32>
    %sub3A_230 = arith.subf %dot_general3A_229, %slice3A_227 : vector<128x8xf32>
    %add3A_231 = vector.broadcast %add3A_226 : vector<1x8xf32> to vector<128x8xf32>
    %add3A_232 = arith.addf %sub3A_230, %add3A_231 : vector<128x8xf32>
    %swap3A_233 = arith.constant 1792 : index
    %swap3A_234 = arith.constant 0 : index
    %swap3A_235 = vector.load %arg9[%swap3A_233, %swap3A_234] : memref<2048x8xf32, #tpu.memory_space<vmem>>, vector<128x8xf32>
    tpu.vector_store %arg9[%swap3A_233, %swap3A_234], %add3A_232 {strides = array<i32>} : memref<2048x8xf32, #tpu.memory_space<vmem>>, vector<128x8xf32>,
    %slice3A_236 = vector.extract_strided_slice %dot_general3A_229 {offsets = [127, 0], sizes = [1, 8], strides = [1, 1]} : vector<128x8xf32> to vector<1x8xf32>
    %add3A_237 = arith.addf %add3A_226, %slice3A_236 : vector<1x8xf32>
    %slice3A_238 = vector.extract_strided_slice %add3A_67 {offsets = [1920, 0], sizes = [128, 8], strides = [1, 1]} : vector<2048x8xf32> to vector<128x8xf32>
    %dot_general3A_239 = arith.constant dense<0.000000e+00> : vector<128x8xf32>
    %dot_general3A_240 = tpu.matmul %convert_element_type3A_71, %slice3A_238, %dot_general3A_239 {dimension_numbers = #tpu.dot_dimension_numbers<[1], [0], [0], [1], [0, 0, 1, 1], [], []>, transpose_lhs_hint = false} : vector<128x128xf32>, vector<128x8xf32>, vector<128x8xf32> -> vector<128x8xf32>
    %sub3A_241 = arith.subf %dot_general3A_240, %slice3A_238 : vector<128x8xf32>
    %add3A_242 = vector.broadcast %add3A_237 : vector<1x8xf32> to vector<128x8xf32>
    %add3A_243 = arith.addf %sub3A_241, %add3A_242 : vector<128x8xf32>
    %swap3A_244 = arith.constant 1920 : index
    %swap3A_245 = arith.constant 0 : index
    %swap3A_246 = vector.load %arg9[%swap3A_244, %swap3A_245] : memref<2048x8xf32, #tpu.memory_space<vmem>>, vector<128x8xf32>
    tpu.vector_store %arg9[%swap3A_244, %swap3A_245], %add3A_243 {strides = array<i32>} : memref<2048x8xf32, #tpu.memory_space<vmem>>, vector<128x8xf32>,
    %slice3A_247 = vector.extract_strided_slice %dot_general3A_240 {offsets = [127, 0], sizes = [1, 8], strides = [1, 1]} : vector<128x8xf32> to vector<1x8xf32>
    %add3A_248 = arith.addf %add3A_237, %slice3A_247 : vector<1x8xf32>
    %convert_element_type3A_249 = arith.fptosi %add3A_248 : vector<1x8xf32> to vector<1x8xi32>
    %add3A_250 = arith.constant 255 : i32
    %add3A_251 = vector.broadcast %add3A_250 : i32 to vector<1x8xi32>
    %add3A_252 = arith.addi %convert_element_type3A_249, %add3A_251 : vector<1x8xi32>
    %shift_right_arithmetic3A = arith.constant 8 : i32
    %shift_right_arithmetic3A_253 = vector.broadcast %shift_right_arithmetic3A : i32 to vector<1x8xi32>
    %shift_right_arithmetic3A_254 = arith.shrsi %add3A_252, %shift_right_arithmetic3A_253 : vector<1x8xi32>
    %convert_element_type3A_255 = arith.sitofp %shift_right_arithmetic3A_254 : vector<1x8xi32> to vector<1x8xf32>
    %dot_general3A_256 = arith.constant dense<0.000000e+00> : vector<1x8xf32>
    %dot_general3A_257 = tpu.matmul %convert_element_type3A_255, %convert_element_type3A_10, %dot_general3A_256 {dimension_numbers = #tpu.dot_dimension_numbers<[1], [0], [0], [1], [0, 0, 1, 1], [], []>, transpose_lhs_hint = false} : vector<1x8xf32>, vector<8x8xf32>, vector<1x8xf32> -> vector<1x8xf32>
    %mul3A = arith.constant 2.560000e+02 : f32
    %mul3A_258 = vector.broadcast %mul3A : f32 to vector<1x8xf32>
    %mul3A_259 = arith.mulf %dot_general3A_257, %mul3A_258 : vector<1x8xf32>
    %add3A_260 = arith.addf %dot_general3A_257, %convert_element_type3A_255 : vector<1x8xf32>
    %get3A_261 = arith.constant 0 : index
    %get3A_262 = arith.constant 0 : index
    %get3A_263 = vector.load %arg9[%get3A_261, %get3A_262] : memref<2048x8xf32, #tpu.memory_space<vmem>>, vector<2048x8xf32>
    %add3A_264 = vector.broadcast %mul3A_259 : vector<1x8xf32> to vector<2048x8xf32>
    %add3A_265 = arith.addf %get3A_263, %add3A_264 : vector<2048x8xf32>
    %mul3A_266 = arith.mulf %add3A_265, %select_n3A : vector<2048x8xf32>
    %reduce_sum3A = arith.constant dense<0.000000e+00> : vector<2048xf32>
    %reduce_sum3A_267 = vector.multi_reduction <add>, %mul3A_266, %reduce_sum3A [1] : vector<2048x8xf32> to vector<2048xf32>
    %convert_element_type3A_268 = arith.fptosi %reduce_sum3A_267 : vector<2048xf32> to vector<2048xi32>
    %swap3A_269 = arith.constant 0 : index
    %swap3A_270 = vector.load %arg3[%swap3A_269] : memref<2048xi32, #tpu.memory_space<vmem>>, vector<2048xi32>
    tpu.vector_store %arg3[%swap3A_269], %convert_element_type3A_268 {strides = array<i32>} : memref<2048xi32, #tpu.memory_space<vmem>>, vector<2048xi32>,
    %mul3A_271 = arith.mulf %add3A_265, %select_n3A_52 : vector<2048x8xf32>
    %reduce_sum3A_272 = arith.constant dense<0.000000e+00> : vector<2048xf32>
    %reduce_sum3A_273 = vector.multi_reduction <add>, %mul3A_271, %reduce_sum3A_272 [1] : vector<2048x8xf32> to vector<2048xf32>
    %convert_element_type3A_274 = arith.fptosi %reduce_sum3A_273 : vector<2048xf32> to vector<2048xi32>
    %swap3A_275 = arith.constant 0 : index
    %swap3A_276 = vector.load %arg4[%swap3A_275] : memref<2048xi32, #tpu.memory_space<vmem>>, vector<2048xi32>
    tpu.vector_store %arg4[%swap3A_275], %convert_element_type3A_274 {strides = array<i32>} : memref<2048xi32, #tpu.memory_space<vmem>>, vector<2048xi32>,
    %iota3A_277 = tpu.iota {dimensions = array<i32: 0>} : vector<24x8xi32>
    %convert_element_type3A_278 = arith.sitofp %iota3A_277 : vector<24x8xi32> to vector<24x8xf32>
    %ge3A_279 = vector.broadcast %add3A_260 : vector<1x8xf32> to vector<24x8xf32>
    %ge3A_280 = arith.cmpf oge, %convert_element_type3A_278, %ge3A_279 : vector<24x8xf32>
    %convert_element_type3A_281 = arith.extui %ge3A_280 : vector<24x8xi1> to vector<24x8xi32>
    %reduce_sum3A_282 = arith.constant dense<0> : vector<24xi32>
    %reduce_sum3A_283 = vector.multi_reduction <add>, %convert_element_type3A_281, %reduce_sum3A_282 [1] : vector<24x8xi32> to vector<24xi32>
    %min3A = arith.constant 7 : i32
    %min3A_284 = vector.broadcast %min3A : i32 to vector<24xi32>
    %min3A_285 = arith.minsi %reduce_sum3A_283, %min3A_284 : vector<24xi32>
    %swap3A_286 = arith.constant 0 : index
    %swap3A_287 = vector.load %arg7[%swap3A_286] : memref<24xi32, #tpu.memory_space<vmem>>, vector<24xi32>
    tpu.vector_store %arg7[%swap3A_286], %min3A_285 {strides = array<i32>} : memref<24xi32, #tpu.memory_space<vmem>>, vector<24xi32>,
    %reduce_sum3A_288 = arith.constant dense<0> : vector<1xi32>
    %reduce_sum3A_289 = vector.multi_reduction <add>, %shift_right_arithmetic3A_254, %reduce_sum3A_288 [1] : vector<1x8xi32> to vector<1xi32>
    %swap3A_290 = arith.constant 0 : index
    %swap3A_291 = vector.load %arg8[%swap3A_290] : memref<1xi32, #tpu.memory_space<vmem>>, vector<1xi32>
    tpu.vector_store %arg8[%swap3A_290], %reduce_sum3A_289 {strides = array<i32>} : memref<1xi32, #tpu.memory_space<vmem>>, vector<1xi32>,
    return
  }
}

module attributes {stable_mosaic.version = 14 : i64} {
  func.func @_ln_body(%arg0: i32, %arg1: memref<256x768xf32, #tpu.memory_space<vmem>>, %arg2: memref<256x768xf32, #tpu.memory_space<vmem>>, %arg3: memref<256x768xf32, #tpu.memory_space<vmem>>, %arg4: memref<256x1xf32, #tpu.memory_space<vmem>>, %arg5: memref<256x1xf32, #tpu.memory_space<vmem>>, %arg6: memref<768xf32, #tpu.memory_space<vmem>>, %arg7: memref<768xf32, #tpu.memory_space<vmem>>, %arg8: memref<256x768xf32, #tpu.memory_space<vmem>>) attributes {dimension_semantics = [#tpu.dimension_semantics<arbitrary>], iteration_bounds = array<i64: 8>, scalar_prefetch = 0 : i64, scratch_operands = 0 : i64, tpu.core_type = #tpu.core_type<tc>, window_params = [{transform_indices = @transform_0, window_bounds = array<i64: 256, 768>}, {transform_indices = @transform_1, window_bounds = array<i64: 256, 768>}, {transform_indices = @transform_2, window_bounds = array<i64: 256, 768>}, {transform_indices = @transform_3, window_bounds = array<i64: 256, 1>}, {transform_indices = @transform_4, window_bounds = array<i64: 256, 1>}, {pipeline_mode = #tpu.pipeline_mode<synchronous>, transform_indices = @transform_5, window_bounds = array<i64: 768>}, {pipeline_mode = #tpu.pipeline_mode<synchronous>, transform_indices = @transform_6, window_bounds = array<i64: 768>}, {transform_indices = @transform_7, window_bounds = array<i64: 256, 768>}]} {
    %get3A = arith.constant 0 : index
    %get3A_0 = arith.constant 0 : index
    %get3A_1 = vector.load %arg1[%get3A, %get3A_0] : memref<256x768xf32, #tpu.memory_space<vmem>>, vector<256x768xf32>
    %get3A_2 = arith.constant 0 : index
    %get3A_3 = arith.constant 0 : index
    %get3A_4 = vector.load %arg4[%get3A_2, %get3A_3] : memref<256x1xf32, #tpu.memory_space<vmem>>, vector<256x1xf32>
    %mul3A = vector.broadcast %get3A_4 : vector<256x1xf32> to vector<256x768xf32>
    %mul3A_5 = arith.mulf %get3A_1, %mul3A : vector<256x768xf32>
    %get3A_6 = arith.constant 0 : index
    %get3A_7 = arith.constant 0 : index
    %get3A_8 = vector.load %arg2[%get3A_6, %get3A_7] : memref<256x768xf32, #tpu.memory_space<vmem>>, vector<256x768xf32>
    %get3A_9 = arith.constant 0 : index
    %get3A_10 = arith.constant 0 : index
    %get3A_11 = vector.load %arg5[%get3A_9, %get3A_10] : memref<256x1xf32, #tpu.memory_space<vmem>>, vector<256x1xf32>
    %mul3A_12 = vector.broadcast %get3A_11 : vector<256x1xf32> to vector<256x768xf32>
    %mul3A_13 = arith.mulf %get3A_8, %mul3A_12 : vector<256x768xf32>
    %add3A = arith.addf %mul3A_5, %mul3A_13 : vector<256x768xf32>
    %get3A_14 = arith.constant 0 : index
    %get3A_15 = arith.constant 0 : index
    %get3A_16 = vector.load %arg3[%get3A_14, %get3A_15] : memref<256x768xf32, #tpu.memory_space<vmem>>, vector<256x768xf32>
    %add3A_17 = arith.addf %add3A, %get3A_16 : vector<256x768xf32>
    %reduce_sum3A = arith.constant dense<0.000000e+00> : vector<256xf32>
    %reduce_sum3A_18 = vector.multi_reduction <add>, %add3A_17, %reduce_sum3A [1] : vector<256x768xf32> to vector<256xf32>
    %broadcast_in_dim3A = vector.shape_cast %reduce_sum3A_18 : vector<256xf32> to vector<256x1xf32>
    %div3A = arith.constant 7.680000e+02 : f32
    %div3A_19 = vector.broadcast %div3A : f32 to vector<256x1xf32>
    %div3A_20 = arith.divf %broadcast_in_dim3A, %div3A_19 : vector<256x1xf32>
    %sub3A = vector.broadcast %div3A_20 : vector<256x1xf32> to vector<256x768xf32>
    %sub3A_21 = arith.subf %add3A_17, %sub3A : vector<256x768xf32>
    %mul3A_22 = arith.mulf %sub3A_21, %sub3A_21 : vector<256x768xf32>
    %reduce_sum3A_23 = arith.constant dense<0.000000e+00> : vector<256xf32>
    %reduce_sum3A_24 = vector.multi_reduction <add>, %mul3A_22, %reduce_sum3A_23 [1] : vector<256x768xf32> to vector<256xf32>
    %broadcast_in_dim3A_25 = vector.shape_cast %reduce_sum3A_24 : vector<256xf32> to vector<256x1xf32>
    %div3A_26 = arith.constant 7.680000e+02 : f32
    %div3A_27 = vector.broadcast %div3A_26 : f32 to vector<256x1xf32>
    %div3A_28 = arith.divf %broadcast_in_dim3A_25, %div3A_27 : vector<256x1xf32>
    %add3A_29 = arith.constant 9.99999974E-6 : f32
    %add3A_30 = vector.broadcast %add3A_29 : f32 to vector<256x1xf32>
    %add3A_31 = arith.addf %div3A_28, %add3A_30 : vector<256x1xf32>
    %rsqrt3A = math.rsqrt %add3A_31 : vector<256x1xf32>
    %mul3A_32 = vector.broadcast %rsqrt3A : vector<256x1xf32> to vector<256x768xf32>
    %mul3A_33 = arith.mulf %sub3A_21, %mul3A_32 : vector<256x768xf32>
    %get3A_34 = arith.constant 0 : index
    %get3A_35 = vector.load %arg6[%get3A_34] : memref<768xf32, #tpu.memory_space<vmem>>, vector<768xf32>
    %broadcast_in_dim3A_36 = vector.shape_cast %get3A_35 : vector<768xf32> to vector<1x768xf32>
    %mul3A_37 = vector.broadcast %broadcast_in_dim3A_36 : vector<1x768xf32> to vector<256x768xf32>
    %mul3A_38 = arith.mulf %mul3A_33, %mul3A_37 : vector<256x768xf32>
    %get3A_39 = arith.constant 0 : index
    %get3A_40 = vector.load %arg7[%get3A_39] : memref<768xf32, #tpu.memory_space<vmem>>, vector<768xf32>
    %broadcast_in_dim3A_41 = vector.shape_cast %get3A_40 : vector<768xf32> to vector<1x768xf32>
    %add3A_42 = vector.broadcast %broadcast_in_dim3A_41 : vector<1x768xf32> to vector<256x768xf32>
    %add3A_43 = arith.addf %mul3A_38, %add3A_42 : vector<256x768xf32>
    %swap3A = arith.constant 0 : index
    %swap3A_44 = arith.constant 0 : index
    %swap3A_45 = vector.load %arg8[%swap3A, %swap3A_44] : memref<256x768xf32, #tpu.memory_space<vmem>>, vector<256x768xf32>
    tpu.vector_store %arg8[%swap3A, %swap3A_44], %add3A_43 {strides = array<i32>} : memref<256x768xf32, #tpu.memory_space<vmem>>, vector<256x768xf32>,
    return
  }
  func.func @transform_0(%arg0: i32) -> (i32, i32) {
    %c0_i32 = arith.constant 0 : i32
    %c0_i32_0 = arith.constant 0 : i32
    return %arg0, %c0_i32 : i32, i32
  }
  func.func @transform_1(%arg0: i32) -> (i32, i32) {
    %c0_i32 = arith.constant 0 : i32
    %c0_i32_0 = arith.constant 0 : i32
    return %arg0, %c0_i32 : i32, i32
  }
  func.func @transform_2(%arg0: i32) -> (i32, i32) {
    %c0_i32 = arith.constant 0 : i32
    %c0_i32_0 = arith.constant 0 : i32
    return %arg0, %c0_i32 : i32, i32
  }
  func.func @transform_3(%arg0: i32) -> (i32, i32) {
    %c0_i32 = arith.constant 0 : i32
    %c0_i32_0 = arith.constant 0 : i32
    return %arg0, %c0_i32 : i32, i32
  }
  func.func @transform_4(%arg0: i32) -> (i32, i32) {
    %c0_i32 = arith.constant 0 : i32
    %c0_i32_0 = arith.constant 0 : i32
    return %arg0, %c0_i32 : i32, i32
  }
  func.func @transform_5(%arg0: i32) -> i32 {
    %c0_i32 = arith.constant 0 : i32
    %c0_i32_0 = arith.constant 0 : i32
    return %c0_i32 : i32
  }
  func.func @transform_6(%arg0: i32) -> i32 {
    %c0_i32 = arith.constant 0 : i32
    %c0_i32_0 = arith.constant 0 : i32
    return %c0_i32 : i32
  }
  func.func @transform_7(%arg0: i32) -> (i32, i32) {
    %c0_i32 = arith.constant 0 : i32
    %c0_i32_0 = arith.constant 0 : i32
    return %arg0, %c0_i32 : i32, i32
  }
}

</mosaic_0001>

<sc_bundles>
// kernel: kernel.10.cloned.1.call-start
scs
__scs_entry_jumppad:
0x0: {  	(pc) =	sbr.rel $0x88, $3  }
0x1: {  	(tag) =	ssettag $0x0;
	lr =	simm.s32 $0x1  }
0x2: {  	[smem:$0x3F99] =	sst lr;
	_ =	strace $0xD0000000  }
0x3: {  	_ = 	snop  }
0x4: {  	_ = 	snop  }
0x5: {  	_ = 	snop  }
0x6: {  	_ = 	snop  }
0x7: {  	_ = 	snop  }
__scs_overlays_trampoline_lowered:
0x8: {  	[smem:$0x3FA8] =	sst s0  }
0x9: {  	[smem:$0x3FA9] =	sst s1  }
0xa: {  	[smem:$0x3FAA] =	sst s2  }
0xb: {  	[smem:$0x3FAB] =	sst s3  }
0xc: {  	[smem:$0x3FAC] =	sst s4  }
0xd: {  	[smem:$0x3FAD] =	sst s5  }
0xe: {  	[smem:$0x3FAE] =	sst s6  }
0xf: {  	[smem:$0x3FAF] =	sst s7  }
0x10: {  	[smem:$0x3FB0] =	sst s8  }
0x11: {  	[smem:$0x3FB1] =	sst s9;
	s0 =	simm.s32 @!p0 $0x0  }
0x12: {  	s1 =	sld [smem:$0x3F97];
	s0 =	simm.s32 @p0 $0x1  }
0x13: {  	[smem:$0x3FB2] =	sst s0;
	s0 =	simm.s32 @!p1 $0x0  }
0x14: {  	s2 =	sld [smem:$0x3F96];
	s0 =	simm.s32 @p1 $0x1  }
0x15: {  	[smem:$0x3FB3] =	sst s0;
	s0 =	simm.s32 @!p2 $0x0  }
0x16: {  	s3 =	sld [smem:$0x3FDB];
	s0 =	simm.s32 @p2 $0x1  }
0x17: {  	s4 =	simm.s32 $0x1BF5;
	[smem:$0x3FB5] =	sst s0  }
0x18: {  	s0 =	sld [smem:$0x3F98];
	_ =	swait.ge [sflag:s4], $0x0  }
0x19: {  	s7 =	sld [smem:$0x3F99]  }
0x1a: {  	s8 =	sadd.s32 $0xFFFFE003, lr  }
0x1b: {  	s9 =	sadd.s32 $0xFFFFFEF7, lr;
	s5 =	simm.s32 $0xFFFFFFFF;
	p2 =	slt.u32 s8, $0xFFFFF086  }
0x1c: {  	p1 =	slt.u32 s9, $0xF7A;
	s5 =	simm.s32 @!p2 $0x0  }
0x1d: {  	s5 =	simm.s32 @p1 $0x1;
	p0 =	seq.s32 s7, s2  }
0x1e: {  	s7 =	smul.u32 @!p0 $0xF7A, s2;
	p2 =	seq.s32 @!p0 s5, $0x0  }
0x1f: {  	s9 =	smul.u32 $0xF7A, s1;
	s8 =	simm.s32 @!p0 $0x1BF5;
	p2 =	por !p2, p0  }
0x20: {  	[sflag:s8] =	ssyncset.s32 @!p0 $0xFFFFF086;
	s6 =	sadd.s32 @!p0 s3, s7;
	s7 =	simm.s32 @!p0 $0x108  }
0x21: {  	s3 =	sadd.s32 s3, s9;
	s6 =	sadd.s32 @!p0 $0x88, s6;
	s7 =	simm.s32 @p2 $0x1082  }
0x22: {  	[simem:s7], [sflag:s8] =	dma.local @!p0 [hbm:s6], $0xF7A  }
0x23: {  	s9 =	sor.u32 $0xD0000000, s2;
	s6 =	simm.s32 $0x108;
	_ =	swait.ge @!p0 [sflag:s8], $0x0  }
0x24: {  	s3 =	sadd.s32 $0x88, s3;
	s6 =	simm.s32 @!p1 $0x1082;
	[sflag:s4] =	ssyncset.s32 $0xFFFFF086  }
0x25: {  	[simem:s6], [sflag:s4] =	dma.local [hbm:s3], $0xF7A  }
0x26: {  	[smem:$0x3F99] =	sst s1;
	(tag) =	ssettag s2;
	_ =	strace s9  }
0x27: {  	s1 =	sld [smem:$0x3FA9]  }
0x28: {  	s2 =	sld [smem:$0x3FAA]  }
0x29: {  	s4 =	sld [smem:$0x3FAC]  }
0x2a: {  	p0 =	seq.s32 s5, $0x0;
	s5 =	sld [smem:$0x3FAD]  }
0x2b: {  	s6 =	sld [smem:$0x3FAE]  }
0x2c: {  	s7 =	sld [smem:$0x3FAF]  }
0x2d: {  	s3 =	simm.s32 $0x108;
	s8 =	sld [smem:$0x3FB0]  }
0x2e: {  	s3 =	simm.s32 @!p0 $0x1082;
	s9 =	sld [smem:$0x3FB1]  }
0x2f: {  	lr =	sadd.s32 s0, s3;
	s0 =	sld [smem:$0x3FA8]  }
0x30: {  	s3 =	sld [smem:$0x3FAB]  }
0x31: {  	[smem:$0x3FB4] =	sst s10  }
0x32: {  	s10 =	sld [smem:$0x3FB2];
	_ =	sdelay $0x3  }
0x33: {  	p0 =	seq.s32 s10, $0x1;
	s10 =	sld [smem:$0x3FB4];
	_ =	sdelay $0x3  }
0x34: {  	[smem:$0x3FB4] =	sst s10  }
0x35: {  	s10 =	sld [smem:$0x3FB3];
	_ =	sdelay $0x3  }
0x36: {  	p1 =	seq.s32 s10, $0x1;
	s10 =	sld [smem:$0x3FB4];
	_ =	sdelay $0x3  }
0x37: {  	[smem:$0x3FB4] =	sst s10  }
0x38: {  	s10 =	sld [smem:$0x3FB5]  }
0x39: {  	_ = 	snop;
	(pc) =	sbr.ind lr, $3  }
0x3a: {  	_ = 	snop  }
0x3b: {  	_ = 	snop  }
0x3c: {  	p2 =	seq.s32 s10, $0x1;
	s10 =	sld [smem:$0x3FB4]  }
0x3d: {  	_ =	shalt  }
0x3e: {  	_ =	shalt  }
0x3f: {  	_ =	shalt  }
0x40: {  	_ =	shalt  }
0x41: {  	_ =	shalt  }
0x42: {  	_ =	shalt  }
0x43: {  	_ =	shalt  }
0x44: {  	_ =	shalt  }
0x45: {  	_ =	shalt  }
0x46: {  	_ =	shalt  }
0x47: {  	_ =	shalt  }
0x48: {  	_ =	shalt  }
0x49: {  	_ =	shalt  }
0x4a: {  	_ =	shalt  }
0x4b: {  	_ =	shalt  }
0x4c: {  	_ =	shalt  }
0x4d: {  	_ =	shalt  }
0x4e: {  	_ =	shalt  }
0x4f: {  	_ =	shalt  }
0x50: {  	_ =	shalt  }
0x51: {  	_ =	shalt  }
0x52: {  	_ =	shalt  }
0x53: {  	_ =	shalt  }
0x54: {  	_ =	shalt  }
0x55: {  	_ =	shalt  }
0x56: {  	_ =	shalt  }
0x57: {  	_ =	shalt  }
0x58: {  	_ =	shalt  }
0x59: {  	_ =	shalt  }
0x5a: {  	_ =	shalt  }
0x5b: {  	_ =	shalt  }
0x5c: {  	_ =	shalt  }
0x5d: {  	_ =	shalt  }
0x5e: {  	_ =	shalt  }
0x5f: {  	_ =	shalt  }
0x60: {  	_ =	shalt  }
0x61: {  	_ =	shalt  }
0x62: {  	_ =	shalt  }
0x63: {  	_ =	shalt  }
0x64: {  	_ =	shalt  }
0x65: {  	_ =	shalt  }
0x66: {  	_ =	shalt  }
0x67: {  	_ =	shalt  }
0x68: {  	_ =	shalt  }
0x69: {  	_ =	shalt  }
0x6a: {  	_ =	shalt  }
0x6b: {  	_ =	shalt  }
0x6c: {  	_ =	shalt  }
0x6d: {  	_ =	shalt  }
0x6e: {  	_ =	shalt  }
0x6f: {  	_ =	shalt  }
0x70: {  	_ =	shalt  }
0x71: {  	_ =	shalt  }
0x72: {  	_ =	shalt  }
0x73: {  	_ =	shalt  }
0x74: {  	_ =	shalt  }
0x75: {  	_ =	shalt  }
0x76: {  	_ =	shalt  }
0x77: {  	_ =	shalt  }
0x78: {  	_ =	shalt  }
0x79: {  	_ =	shalt  }
0x7a: {  	_ =	shalt  }
0x7b: {  	_ =	shalt  }
0x7c: {  	_ =	shalt  }
0x7d: {  	_ =	shalt  }
0x7e: {  	_ =	shalt  }
0x7f: {  	_ =	shalt  }
0x80: {  	_ =	shalt  }
0x81: {  	_ =	shalt  }
0x82: {  	_ =	shalt  }
0x83: {  	_ =	shalt  }
0x84: {  	_ =	shalt  }
0x85: {  	_ =	shalt  }
0x86: {  	_ =	shalt  }
0x87: {  	_ =	shalt  }
.Lfunc_end0:
.L_simem_size_0:
called_computation.1_lowered:
.L_overlay_start_0:
0x88: {  	s2 =	sld [smem:$0x3FD9]  }
0x89: {  	s3 =	sld [smem:$0x3FFE];
	_ =	sdelay $0x1  }
0x8a: {  	s1 =	srdreg.scid  }
0x8b: {  	s0 =	sand.u32 $0x1, s1  }
0x8c: {  	s14 =	sshll.u32 s0, $0xA;
	s2 =	sadd.s32 s3, s2  }
0x8d: {  	s2 =	sadd.s32 s2, s14  }
0x8e: {  	[smem:$0x3FC0] =	sst s2  }
0x8f: {  	_ = 	snop  }
0x90: {  	s2 =	sld [smem:$0x3FD0];
	_ =	sdelay $0x2  }
0x91: {  	s15 =	simm.s32 $0xA;
	s4 =	simm.s32 $0x10  }
0x92: {  	[smem:s4], [sflag:s15] =	dma.local [hbm:s2], $0x1  }
0x93: {  	_ =	swait.eq [sflag:s15], $0x1  }
0x94: {  	[sflag:s15] =	ssyncset.done $0x0  }
0x95: {  	[sflag:s15] =	ssyncadd.s32 $0xFFFFFFFF  }
0x96: {  	s16 =	sld [smem:$0x10];
	(tm) =	ssettm $0x1  }
0x97: {  	s17 =	sld [smem:$0x3FFB];
	_ =	sdelay $0x3  }
0x98: {  	_ =	strace s17  }
0x99: {  	s3 =	sld [smem:$0x3FFC];
	_ =	sdelay $0x3  }
0x9a: {  	_ =	strace s3  }
0x9b: {  	s3 =	sld [smem:$0x3FFD];
	_ =	sdelay $0x3  }
0x9c: {  	_ =	strace s3  }
0x9d: {  	_ =	strace $0x8FFFFFFF  }
0x9e: {  	s18 =	sld [smem:$0x3FDB];
	_ =	sdelay $0x1  }
0x9f: {  	s19 =	simm.s32 $_scs_section_size  }
0xa0: {  	s5 =	simm.s32 $_size__tile_overlayer_lowered;
	s6 =	simm.s32 $_tile_overlayer_lowered  }
0xa1: {  	s22 =	simm.s32 $0x1BFF;
	s21 =	sshll.u32 s6, $0x1;
	s3 =	sadd.s32 s19, s18  }
0xa2: {  	s7 =	simm.s32 $0x0;
	s20 =	sshll.u32 s5, $0x1;
	s5 =	sadd.s32 s21, s3  }
0xa3: {  	[timem:s7], [sflag:s22] =	dma.local [hbm:s5], s20  }
0xa4: {  	_ =	swait.ge [sflag:s22], s20  }
0xa5: {  	s4 =	ssub.s32 $0x0, s20;
	[sflag:s22] =	ssyncset.done $0x0  }
0xa6: {  	[sflag:s22] =	ssyncadd.s32 s4;
	_ =	sdelay $0x1  }
0xa7: {  	s23 =	simm.s32 $0x1B8B  }
0xa8: {  	_ =	swait.ge [sflag:s23], $0x1  }
0xa9: {  	[sflag:s23] =	ssyncset.done $0x0  }
0xaa: {  	s25 =	simm.s32 $0x1B8E;
	s24 =	sld [smem:$0x3FFE];
	[sflag:s23] =	ssyncadd.s32 $0xFFFFFFFF  }
0xab: {  	s26 =	simm.s32 $execute0_lowered;
	[smem:$0x3FD2] =	sst s25  }
0xac: {  	s5 =	sshll.u32 s26, $0x1;
	_ =	strace $0x80000049;
	[dreg:$0x1] =	wrdreg $0xFFFFFFFF  }
0xad: {  	s28 =	simm.s32 $_size_execute0_lowered;
	s3 =	sadd.s32 s3, s5;
	[dreg:$0x0] =	wrdreg $0x0  }
0xae: {  	s5 =	sshll.u32 s28, $0x1;
	[dreg:$0x2] =	wrdreg s3  }
0xaf: {  	[dreg:$0x3] =	wrdreg s5  }
0xb0: {  	[dreg:$0x4] =	wrdreg $0xC0  }
0xb1: {  	_ =	task [dreg:s7], $0x5FFFF  }
0xb2: {  	[dreg:$0x1] =	wrdreg $0xFFFFFFFF  }
0xb3: {  	[dreg:$0x0] =	wrdreg $0x60  }
0xb4: {  	[dreg:$0x2] =	wrdreg s24  }
0xb5: {  	[dreg:$0x3] =	wrdreg s16  }
0xb6: {  	[dreg:$0x4] =	wrdreg $0x9  }
0xb7: {  	_ =	task.clear_ibuf [dreg:s7], $0x5FFFF;
	_ =	strace $0x90000049  }
0xb8: {  	s29 =	simm.s32 $0x9;
	_ =	strace $0x8000004B  }
0xb9: {  	_ =	swait.ge [sflag:s29], $0x1  }
0xba: {  	[sflag:s29] =	ssyncadd.s32 $0xFFFFFFFF  }
0xbb: {  	_ =	strace $0x9000004B  }
0xbc: {  	_ =	sfence  }
0xbd: {  	s30 =	sld [smem:$0x0];
	_ =	sdelay $0x2  }
0xbe: {  	s31 =	sshll.u32 s1, $0xD;
	s1 =	sshrl.u32 s1, $0x2  }
0xbf: {  	s3 =	sand.u32 $0x4000, s31;
	s1 =	sadd.s32 s1, s30  }
0xc0: {  	s0 =	sor.u32 s3, s0;
	s1 =	sshll.u32 s1, $0x11  }
0xc1: {  	s0 =	sor.u32 s1, s0  }
0xc2: {  	s0 =	sadd.s32 $0x8F2B, s0  }
0xc3: {  	[sflag:s0] =	ssyncadd.remote.s32 $0x1  }
0xc4: {  	_ =	sfence.sel $0xFFFF  }
0xc5: {  	[dreg:$0x0] =	wrdreg $0xFFFFFFFF;
	(pc) =	sbr.abs _section_cstart, $3  }
0xc6: {  	[dreg:$0x1] =	wrdreg $0xFFFFFFFF  }
0xc7: {  	_ =	task.clear_ibuf [dreg:s7], $0x2FFFF;
	_ =	strace $0x9FFFFFFF  }
0xc8: {  	(tm) =	ssettm $0x7FFFFFFF  }
0xc9: {  	_ =	shalt  }
tec
execute0_lowered:
.L_overlay_start_1:
0x0: {  	(tag) =	ssettag $0x1  }
0x1: {  	s2 =	srdreg.scid;
	s1 =	rddreg [dreg:$0x0]  }
0x2: {  	s3 =	rddreg [dreg:$0x1];
	s4 =	sand.u32 $0x1, s2;
	s2 =	simm.s32 $0x0  }
0x3: {  	s22 =	simm.s32 $0x80;
	[smem:$0x7FF] =	sst s2  }
0x4: {  	s23 =	simm.s32 $0x900;
	_ =	strace $0x8000004A;
	[dreg:$0x7] =	wrdreg s22  }
0x5: {  	s24 =	simm.s32 $0x1100;
	[dreg:$0x8] =	wrdreg s23  }
0x6: {  	s25 =	simm.s32 $0x1900;
	[dreg:$0x9] =	wrdreg s24  }
0x7: {  	s0 =	stileid.u32;
	s26 =	simm.s32 $0x2100;
	[dreg:$0xa] =	wrdreg s25  }
0x8: {  	s5 =	sshll.u32 s0, $0x4;
	s0 =	simm.s32 $0x2900;
	[dreg:$0xb] =	wrdreg s26  }
0x9: {  	s8 =	simm.s32 $0x4900;
	[dreg:$0xc] =	wrdreg s0  }
0xa: {  	s9 =	simm.s32 $0x5100;
	[dreg:$0x10] =	wrdreg s8  }
0xb: {  	s10 =	simm.s32 $0x5900;
	[dreg:$0x11] =	wrdreg s9  }
0xc: {  	s11 =	simm.s32 $0x6100;
	s12 =	simm.s32 $0x6900;
	[dreg:$0x12] =	wrdreg s10  }
0xd: {  	s13 =	simm.s32 $0x7100;
	s14 =	simm.s32 $0x7900;
	[dreg:$0x13] =	wrdreg s11  }
0xe: {  	s15 =	simm.s32 $0x8100;
	s16 =	simm.s32 $0x8900;
	[dreg:$0x14] =	wrdreg s12  }
0xf: {  	s17 =	simm.s32 $0x9100;
	s18 =	simm.s32 $0x9900;
	[dreg:$0x15] =	wrdreg s13  }
0x10: {  	s28 =	simm.s32 $0x16900;
	s29 =	simm.s32 $0x17100;
	[dreg:$0x16] =	wrdreg s14  }
0x11: {  	s30 =	simm.s32 $0x17900;
	s31 =	simm.s32 $0x1;
	[dreg:$0x17] =	wrdreg s15  }
0x12: {  	s6 =	sshll.u32 s4, $0x3;
	s4 =	ssub.s32 $0x2, s4;
	[dreg:$0x18] =	wrdreg s16  }
0x13: {  	s5 =	sor.u32 s6, s5;
	[dreg:$0x19] =	wrdreg s17;
	s19 =	sshrl.u32 s4, $0x1  }
0x14: {  	[dreg:$0x1a] =	wrdreg s18;
	s22 =	simm.s32 $0xB100;
	s23 =	simm.s32 $0xB900  }
0x15: {  	s24 =	simm.s32 $0xC900;
	s25 =	simm.s32 $0xD100;
	s8 =	simm.s32 $0x100  }
0x16: {  	s26 =	simm.s32 $0xD900;
	s9 =	simm.s32 $0xC100;
	s11 =	simm.s32 $0xE900  }
0x17: {  	s12 =	simm.s32 $0xF100;
	s13 =	simm.s32 $0xF900;
	[dreg:$0x1d] =	wrdreg s22  }
0x18: {  	s14 =	simm.s32 $0x10100;
	s15 =	simm.s32 $0x10900;
	[dreg:$0x1e] =	wrdreg s23  }
0x19: {  	s16 =	simm.s32 $0x11100;
	s17 =	simm.s32 $0x11900;
	[dreg:$0x1f] =	wrdreg s24  }
0x1a: {  	s18 =	simm.s32 $0x12100;
	s6 =	sadd.s32 s5, s1;
	[smem:$0x7FC] =	sst s25  }
0x1b: {  	s5 =	smul.u32 $0x300, s5;
	[smem:$0x7FD] =	sst s26;
	s7 =	sadd.s32 $0x2C00, s6  }
0x1c: {  	s22 =	simm.s32 $0x14100;
	s6 =	sadd.s32 $0x2E00, s6;
	[dreg:$0x3] =	wrdreg s7  }
0x1d: {  	s23 =	simm.s32 $0x14900;
	[dreg:$0x4] =	wrdreg s6;
	s3 =	sadd.s32 s3, s5  }
0x1e: {  	s20 =	sadd.s32 s5, s1;
	s5 =	simm.s32 $0x3100;
	[dreg:$0x5] =	wrdreg s3  }
0x1f: {  	s24 =	simm.s32 $0x15100;
	s6 =	simm.s32 $0x3900;
	[dreg:$0xd] =	wrdreg s5  }
0x20: {  	s25 =	simm.s32 $0x15900;
	s7 =	simm.s32 $0x4100;
	[dreg:$0xe] =	wrdreg s6  }
0x21: {  	s26 =	simm.s32 $0x16100;
	s21 =	sadd.s32 $0x93000, s20;
	[dreg:$0xf] =	wrdreg s7  }
0x22: {  	s3 =	sadd.s32 $0x3000, s1;
	s20 =	simm.s32 $0xA100;
	s6 =	ssub.s32 s4, s19  }
0x23: {  	s4 =	sadd.s32 $0x3100, s1;
	s5 =	sadd.s32 $0x3200, s1;
	s7 =	simm.s32 $0x3  }
0x24: {  	v2 =	vlaneseq.u32;
	s19 =	simm.s32 $0x12900;
	s1 =	simm.s32 $0x2;
	[dreg:$0x6] =	wrdreg s21  }
0x25: {  	vm0 =	vmmov $0xffff;
	v1 =	vshrl.u32 v2, $0x3;
	[dreg:$0x1b] =	wrdreg s20;
	s21 =	simm.s32 $0xA900;
	s6 =	smax.u32 s6, $0x1  }
0x26: {  	v0 =	vand.u32 $0x7, v2;
	v2 =	vor.u32 $0x8, v2;
	v1 =	vmul.u32 $0x8, v1;
	s20 =	simm.s32 $0x13100;
	[dreg:$0x1c] =	wrdreg s21;
	s21 =	simm.s32 $0x13900  }
.LBB2_1:
0x27: {  	s0 =	rddreg [dreg:$0x3]  }
0x28: {  	[tilespmem:s2], [sflag:$0x3] =	stream.linear.gather [hbm4b:s0+s2], $0x40, $0x38;
	[tilespmem:$0x18100] =	vst v63  }
0x29: {  	_ =	swait.ge [sflag:s7], $0x40  }
0x2a: {  	s0 =	rddreg [dreg:$0x4];
	[sflag:s7] =	ssyncset.done $0x0  }
0x2b: {  	s10 =	rddreg [dreg:$0x7];
	[sflag:s7] =	ssyncadd.s32 $0xFFFFFFC0  }
0x2c: {  	[tilespmem:s10], [sflag:$0x3] =	stream.linear.gather [hbm4b:s0+s2], $0x40, $0x38;
	[tilespmem:$0x18100] =	vst v63  }
0x2d: {  	_ =	swait.ge [sflag:s7], $0x40  }
0x2e: {  	[sflag:s7] =	ssyncset.done $0x0  }
0x2f: {  	[sflag:s7] =	ssyncadd.s32 $0xFFFFFFC0  }
0x30: {  	v3 =	vld [tilespmem:$0x0];
	_ =	sdelay $0x4  }
0x31: {  	v4 =	vshrl.u32 v3, $0x3  }
0x32: {  	v4 =	vmul.u32 $0x30, v4  }
0x33: {  	v3 =	vand.u32 $0x7, v3  }
0x34: {  	v3 =	vor.u32 v3, v4  }
0x35: {  	v4 =	vperm.xlane v3, v0;
	_ =	sdelay $0x1  }
0x36: {  	v4 =	vadd.s32 v1, v4;
	_ =	sdelay $0x3  }
0x37: {  	v3 =	vperm.xlane v3, v2  }
0x38: {  	[tilespmem:s8], [sflag:$0x1] =	stream.indirect_vreg.gather [hbm4b:s3+s2], $0x80, v4, vm0, $0xb8;
	[tilespmem:$0x18100] =	vst v63  }
0x39: {  	s0 =	rddreg [dreg:$0x8];
	v3 =	vadd.s32 v1, v3  }
0x3a: {  	[tilespmem:s0], [sflag:$0x1] =	stream.indirect_vreg.gather [hbm4b:s4+s2], $0x80, v4, vm0, $0xb8;
	[tilespmem:$0x18100] =	vst v63  }
0x3b: {  	s10 =	rddreg [dreg:$0x9]  }
0x3c: {  	[tilespmem:s10], [sflag:$0x1] =	stream.indirect_vreg.gather [hbm4b:s5+s2], $0x80, v4, vm0, $0xb8;
	[tilespmem:$0x18100] =	vst v63  }
0x3d: {  	s0 =	rddreg [dreg:$0xa]  }
0x3e: {  	[tilespmem:s0], [sflag:$0x1] =	stream.indirect_vreg.gather [hbm4b:s3+s2], $0x80, v3, vm0, $0xb8;
	[tilespmem:$0x18100] =	vst v63  }
0x3f: {  	s10 =	rddreg [dreg:$0xb]  }
0x40: {  	[tilespmem:s10], [sflag:$0x1] =	stream.indirect_vreg.gather [hbm4b:s4+s2], $0x80, v3, vm0, $0xb8;
	[tilespmem:$0x18100] =	vst v63  }
0x41: {  	s0 =	rddreg [dreg:$0xc]  }
0x42: {  	[tilespmem:s0], [sflag:$0x1] =	stream.indirect_vreg.gather [hbm4b:s5+s2], $0x80, v3, vm0, $0xb8;
	[tilespmem:$0x18100] =	vst v63  }
0x43: {  	v3 =	vld [tilespmem:$0x10];
	_ =	sdelay $0x4  }
0x44: {  	v57 =	vshrl.u32 v3, $0x3  }
0x45: {  	v4 =	vmul.u32 $0x30, v57  }
0x46: {  	v3 =	vand.u32 $0x7, v3  }
0x47: {  	v3 =	vor.u32 v3, v4  }
0x48: {  	v4 =	vperm.xlane v3, v0;
	_ =	sdelay $0x1  }
0x49: {  	v4 =	vadd.s32 v1, v4;
	_ =	sdelay $0x3  }
0x4a: {  	s0 =	rddreg [dreg:$0xd];
	v3 =	vperm.xlane v3, v2  }
0x4b: {  	[tilespmem:s0], [sflag:$0x1] =	stream.indirect_vreg.gather [hbm4b:s3+s2], $0x80, v4, vm0, $0xb8;
	[tilespmem:$0x18100] =	vst v63  }
0x4c: {  	s10 =	rddreg [dreg:$0xe];
	v3 =	vadd.s32 v1, v3  }
0x4d: {  	[tilespmem:s10], [sflag:$0x1] =	stream.indirect_vreg.gather [hbm4b:s4+s2], $0x80, v4, vm0, $0xb8;
	[tilespmem:$0x18100] =	vst v63  }
0x4e: {  	s0 =	rddreg [dreg:$0xf]  }
0x4f: {  	[tilespmem:s0], [sflag:$0x1] =	stream.indirect_vreg.gather [hbm4b:s5+s2], $0x80, v4, vm0, $0xb8;
	[tilespmem:$0x18100] =	vst v63  }
0x50: {  	s10 =	rddreg [dreg:$0x10]  }
0x51: {  	[tilespmem:s10], [sflag:$0x1] =	stream.indirect_vreg.gather [hbm4b:s3+s2], $0x80, v3, vm0, $0xb8;
	[tilespmem:$0x18100] =	vst v63  }
0x52: {  	s0 =	rddreg [dreg:$0x11]  }
0x53: {  	[tilespmem:s0], [sflag:$0x1] =	stream.indirect_vreg.gather [hbm4b:s4+s2], $0x80, v3, vm0, $0xb8;
	[tilespmem:$0x18100] =	vst v63  }
0x54: {  	s10 =	rddreg [dreg:$0x12]  }
0x55: {  	[tilespmem:s10], [sflag:$0x1] =	stream.indirect_vreg.gather [hbm4b:s5+s2], $0x80, v3, vm0, $0xb8;
	[tilespmem:$0x18100] =	vst v63  }
0x56: {  	v3 =	vld [tilespmem:$0x20];
	_ =	sdelay $0x4  }
0x57: {  	v58 =	vshrl.u32 v3, $0x3  }
0x58: {  	v4 =	vmul.u32 $0x30, v58  }
0x59: {  	v3 =	vand.u32 $0x7, v3  }
0x5a: {  	v3 =	vor.u32 v3, v4  }
0x5b: {  	v4 =	vperm.xlane v3, v0;
	_ =	sdelay $0x1  }
0x5c: {  	v4 =	vadd.s32 v1, v4;
	_ =	sdelay $0x3  }
0x5d: {  	s0 =	rddreg [dreg:$0x13];
	v3 =	vperm.xlane v3, v2  }
0x5e: {  	[tilespmem:s0], [sflag:$0x1] =	stream.indirect_vreg.gather [hbm4b:s3+s2], $0x80, v4, vm0, $0xb8;
	[tilespmem:$0x18100] =	vst v63  }
0x5f: {  	s10 =	rddreg [dreg:$0x14];
	v3 =	vadd.s32 v1, v3  }
0x60: {  	[tilespmem:s10], [sflag:$0x1] =	stream.indirect_vreg.gather [hbm4b:s4+s2], $0x80, v4, vm0, $0xb8;
	[tilespmem:$0x18100] =	vst v63  }
0x61: {  	s0 =	rddreg [dreg:$0x15]  }
0x62: {  	[tilespmem:s0], [sflag:$0x1] =	stream.indirect_vreg.gather [hbm4b:s5+s2], $0x80, v4, vm0, $0xb8;
	[tilespmem:$0x18100] =	vst v63  }
0x63: {  	s10 =	rddreg [dreg:$0x16]  }
0x64: {  	[tilespmem:s10], [sflag:$0x1] =	stream.indirect_vreg.gather [hbm4b:s3+s2], $0x80, v3, vm0, $0xb8;
	[tilespmem:$0x18100] =	vst v63  }
0x65: {  	s0 =	rddreg [dreg:$0x17]  }
0x66: {  	[tilespmem:s0], [sflag:$0x1] =	stream.indirect_vreg.gather [hbm4b:s4+s2], $0x80, v3, vm0, $0xb8;
	[tilespmem:$0x18100] =	vst v63  }
0x67: {  	s10 =	rddreg [dreg:$0x18]  }
0x68: {  	[tilespmem:s10], [sflag:$0x1] =	stream.indirect_vreg.gather [hbm4b:s5+s2], $0x80, v3, vm0, $0xb8;
	[tilespmem:$0x18100] =	vst v63  }
0x69: {  	v3 =	vld [tilespmem:$0x30];
	_ =	sdelay $0x4  }
0x6a: {  	v59 =	vshrl.u32 v3, $0x3  }
0x6b: {  	v4 =	vmul.u32 $0x30, v59  }
0x6c: {  	v3 =	vand.u32 $0x7, v3  }
0x6d: {  	v3 =	vor.u32 v3, v4  }
0x6e: {  	v4 =	vperm.xlane v3, v0;
	_ =	sdelay $0x1  }
0x6f: {  	v4 =	vadd.s32 v1, v4;
	_ =	sdelay $0x3  }
0x70: {  	s0 =	rddreg [dreg:$0x19];
	v3 =	vperm.xlane v3, v2  }
0x71: {  	[tilespmem:s0], [sflag:$0x1] =	stream.indirect_vreg.gather [hbm4b:s3+s2], $0x80, v4, vm0, $0xb8;
	[tilespmem:$0x18100] =	vst v63  }
0x72: {  	s10 =	rddreg [dreg:$0x1a];
	v3 =	vadd.s32 v1, v3  }
0x73: {  	[tilespmem:s10], [sflag:$0x1] =	stream.indirect_vreg.gather [hbm4b:s4+s2], $0x80, v4, vm0, $0xb8;
	[tilespmem:$0x18100] =	vst v63  }
0x74: {  	s0 =	rddreg [dreg:$0x1b]  }
0x75: {  	[tilespmem:s0], [sflag:$0x1] =	stream.indirect_vreg.gather [hbm4b:s5+s2], $0x80, v4, vm0, $0xb8;
	[tilespmem:$0x18100] =	vst v63  }
0x76: {  	s10 =	rddreg [dreg:$0x1c]  }
0x77: {  	[tilespmem:s10], [sflag:$0x1] =	stream.indirect_vreg.gather [hbm4b:s3+s2], $0x80, v3, vm0, $0xb8;
	[tilespmem:$0x18100] =	vst v63  }
0x78: {  	s0 =	rddreg [dreg:$0x1d]  }
0x79: {  	[tilespmem:s0], [sflag:$0x1] =	stream.indirect_vreg.gather [hbm4b:s4+s2], $0x80, v3, vm0, $0xb8;
	[tilespmem:$0x18100] =	vst v63  }
0x7a: {  	s10 =	rddreg [dreg:$0x1e]  }
0x7b: {  	[tilespmem:s10], [sflag:$0x1] =	stream.indirect_vreg.gather [hbm4b:s5+s2], $0x80, v3, vm0, $0xb8;
	[tilespmem:$0x18100] =	vst v63  }
0x7c: {  	v3 =	vld [tilespmem:$0x80];
	_ =	sdelay $0x4  }
0x7d: {  	v60 =	vshrl.u32 v3, $0x3  }
0x7e: {  	v4 =	vmul.u32 $0x30, v60  }
0x7f: {  	v3 =	vand.u32 $0x7, v3  }
0x80: {  	v3 =	vor.u32 v3, v4  }
0x81: {  	v4 =	vperm.xlane v3, v0;
	_ =	sdelay $0x1  }
0x82: {  	v4 =	vadd.s32 v1, v4;
	_ =	sdelay $0x3  }
0x83: {  	s0 =	rddreg [dreg:$0x1f];
	v3 =	vperm.xlane v3, v2  }
0x84: {  	[tilespmem:s9], [sflag:$0x2] =	stream.indirect_vreg.gather [hbm4b:s3+s2], $0x80, v4, vm0, $0xb8;
	[tilespmem:$0x18100] =	vst v63  }
0x85: {  	s10 =	sld [smem:$0x7FC];
	v3 =	vadd.s32 v1, v3  }
0x86: {  	[tilespmem:s0], [sflag:$0x2] =	stream.indirect_vreg.gather [hbm4b:s4+s2], $0x80, v4, vm0, $0xb8;
	[tilespmem:$0x18100] =	vst v63  }
0x87: {  	s0 =	sld [smem:$0x7FD]  }
0x88: {  	[tilespmem:s10], [sflag:$0x2] =	stream.indirect_vreg.gather [hbm4b:s5+s2], $0x80, v4, vm0, $0xb8;
	[tilespmem:$0x18100] =	vst v63  }
0x89: {  	_ = 	snop  }
0x8a: {  	[tilespmem:s0], [sflag:$0x2] =	stream.indirect_vreg.gather [hbm4b:s3+s2], $0x80, v3, vm0, $0xb8;
	[tilespmem:$0x18100] =	vst v63  }
0x8b: {  	s10 =	simm.s32 $0xE100  }
0x8c: {  	[tilespmem:s10], [sflag:$0x2] =	stream.indirect_vreg.gather [hbm4b:s4+s2], $0x80, v3, vm0, $0xb8;
	[tilespmem:$0x18100] =	vst v63  }
0x8d: {  	_ = 	snop  }
0x8e: {  	[tilespmem:s11], [sflag:$0x2] =	stream.indirect_vreg.gather [hbm4b:s5+s2], $0x80, v3, vm0, $0xb8;
	[tilespmem:$0x18100] =	vst v63  }
0x8f: {  	v3 =	vld [tilespmem:$0x90];
	_ =	sdelay $0x4  }
0x90: {  	v61 =	vshrl.u32 v3, $0x3  }
0x91: {  	v4 =	vmul.u32 $0x30, v61  }
0x92: {  	v3 =	vand.u32 $0x7, v3  }
0x93: {  	v3 =	vor.u32 v3, v4  }
0x94: {  	v4 =	vperm.xlane v3, v0;
	_ =	sdelay $0x1  }
0x95: {  	v4 =	vadd.s32 v1, v4;
	_ =	sdelay $0x3  }
0x96: {  	v3 =	vperm.xlane v3, v2  }
0x97: {  	[tilespmem:s12], [sflag:$0x2] =	stream.indirect_vreg.gather [hbm4b:s3+s2], $0x80, v4, vm0, $0xb8;
	[tilespmem:$0x18100] =	vst v63  }
0x98: {  	v3 =	vadd.s32 v1, v3  }
0x99: {  	[tilespmem:s13], [sflag:$0x2] =	stream.indirect_vreg.gather [hbm4b:s4+s2], $0x80, v4, vm0, $0xb8;
	[tilespmem:$0x18100] =	vst v63  }
0x9a: {  	_ = 	snop  }
0x9b: {  	[tilespmem:s14], [sflag:$0x2] =	stream.indirect_vreg.gather [hbm4b:s5+s2], $0x80, v4, vm0, $0xb8;
	[tilespmem:$0x18100] =	vst v63  }
0x9c: {  	_ = 	snop  }
0x9d: {  	[tilespmem:s15], [sflag:$0x2] =	stream.indirect_vreg.gather [hbm4b:s3+s2], $0x80, v3, vm0, $0xb8;
	[tilespmem:$0x18100] =	vst v63  }
0x9e: {  	_ = 	snop  }
0x9f: {  	[tilespmem:s16], [sflag:$0x2] =	stream.indirect_vreg.gather [hbm4b:s4+s2], $0x80, v3, vm0, $0xb8;
	[tilespmem:$0x18100] =	vst v63  }
0xa0: {  	_ = 	snop  }
0xa1: {  	[tilespmem:s17], [sflag:$0x2] =	stream.indirect_vreg.gather [hbm4b:s5+s2], $0x80, v3, vm0, $0xb8;
	[tilespmem:$0x18100] =	vst v63  }
0xa2: {  	v3 =	vld [tilespmem:$0xA0];
	_ =	sdelay $0x4  }
0xa3: {  	v62 =	vshrl.u32 v3, $0x3  }
0xa4: {  	v4 =	vmul.u32 $0x30, v62  }
0xa5: {  	v3 =	vand.u32 $0x7, v3  }
0xa6: {  	v3 =	vor.u32 v3, v4  }
0xa7: {  	v4 =	vperm.xlane v3, v0;
	_ =	sdelay $0x1  }
0xa8: {  	v4 =	vadd.s32 v1, v4;
	_ =	sdelay $0x3  }
0xa9: {  	v3 =	vperm.xlane v3, v2  }
0xaa: {  	[tilespmem:s18], [sflag:$0x2] =	stream.indirect_vreg.gather [hbm4b:s3+s2], $0x80, v4, vm0, $0xb8;
	[tilespmem:$0x18100] =	vst v63  }
0xab: {  	v3 =	vadd.s32 v1, v3  }
0xac: {  	[tilespmem:s19], [sflag:$0x2] =	stream.indirect_vreg.gather [hbm4b:s4+s2], $0x80, v4, vm0, $0xb8;
	[tilespmem:$0x18100] =	vst v63  }
0xad: {  	_ = 	snop  }
0xae: {  	[tilespmem:s20], [sflag:$0x2] =	stream.indirect_vreg.gather [hbm4b:s5+s2], $0x80, v4, vm0, $0xb8;
	[tilespmem:$0x18100] =	vst v63  }
0xaf: {  	_ = 	snop  }
0xb0: {  	[tilespmem:s21], [sflag:$0x2] =	stream.indirect_vreg.gather [hbm4b:s3+s2], $0x80, v3, vm0, $0xb8;
	[tilespmem:$0x18100] =	vst v63  }
0xb1: {  	_ = 	snop  }
0xb2: {  	[tilespmem:s22], [sflag:$0x2] =	stream.indirect_vreg.gather [hbm4b:s4+s2], $0x80, v3, vm0, $0xb8;
	[tilespmem:$0x18100] =	vst v63  }
0xb3: {  	_ = 	snop  }
0xb4: {  	[tilespmem:s23], [sflag:$0x2] =	stream.indirect_vreg.gather [hbm4b:s5+s2], $0x80, v3, vm0, $0xb8;
	[tilespmem:$0x18100] =	vst v63  }
0xb5: {  	v3 =	vld [tilespmem:$0xB0];
	_ =	sdelay $0x4  }
0xb6: {  	v63 =	vshrl.u32 v3, $0x3  }
0xb7: {  	v4 =	vmul.u32 $0x30, v63  }
0xb8: {  	v3 =	vand.u32 $0x7, v3  }
0xb9: {  	v3 =	vor.u32 v3, v4  }
0xba: {  	v4 =	vperm.xlane v3, v0;
	_ =	sdelay $0x1  }
0xbb: {  	v4 =	vadd.s32 v1, v4;
	_ =	sdelay $0x3  }
0xbc: {  	v3 =	vperm.xlane v3, v2  }
0xbd: {  	[tilespmem:s24], [sflag:$0x2] =	stream.indirect_vreg.gather [hbm4b:s3+s2], $0x80, v4, vm0, $0xb8;
	[tilespmem:$0x18100] =	vst v63  }
0xbe: {  	v3 =	vadd.s32 v1, v3  }
0xbf: {  	[tilespmem:s25], [sflag:$0x2] =	stream.indirect_vreg.gather [hbm4b:s4+s2], $0x80, v4, vm0, $0xb8;
	[tilespmem:$0x18100] =	vst v63  }
0xc0: {  	_ = 	snop  }
0xc1: {  	[tilespmem:s26], [sflag:$0x2] =	stream.indirect_vreg.gather [hbm4b:s5+s2], $0x80, v4, vm0, $0xb8;
	[tilespmem:$0x18100] =	vst v63  }
0xc2: {  	_ = 	snop  }
0xc3: {  	[tilespmem:s28], [sflag:$0x2] =	stream.indirect_vreg.gather [hbm4b:s3+s2], $0x80, v3, vm0, $0xb8;
	[tilespmem:$0x18100] =	vst v63  }
0xc4: {  	_ = 	snop  }
0xc5: {  	[tilespmem:s29], [sflag:$0x2] =	stream.indirect_vreg.gather [hbm4b:s4+s2], $0x80, v3, vm0, $0xb8;
	[tilespmem:$0x18100] =	vst v63  }
0xc6: {  	_ = 	snop  }
0xc7: {  	[tilespmem:s30], [sflag:$0x2] =	stream.indirect_vreg.gather [hbm4b:s5+s2], $0x80, v3, vm0, $0xb8;
	[tilespmem:$0x18100] =	vst v63  }
0xc8: {  	_ =	swait.ge [sflag:s31], $0xC000  }
0xc9: {  	[sflag:s31] =	ssyncset.done $0x0  }
0xca: {  	s10 =	rddreg [dreg:$0x5];
	[sflag:s31] =	ssyncadd.s32 $0xFFFF4000  }
0xcb: {  	[hbm4b:s10+s2] =	stream.linear.scatter [tilespmem:s8], [sflag:$0x1], $0xC000, $0x38;
	[tilespmem:$0x18100] =	vst v63  }
0xcc: {  	_ =	swait.ge [sflag:s1], $0xC000  }
0xcd: {  	[sflag:s1] =	ssyncset.done $0x0  }
0xce: {  	s10 =	rddreg [dreg:$0x6];
	[sflag:s1] =	ssyncadd.s32 $0xFFFF4000  }
0xcf: {  	[hbm4b:s10+s2] =	stream.linear.scatter [tilespmem:s9], [sflag:$0x2], $0xC000, $0x38;
	[tilespmem:$0x18100] =	vst v63  }
0xd0: {  	p0 =	sne.s32 s6, $0x1;
	_ =	swait.ge [sflag:s31], $0xC000  }
.Ltmp0:
0xd1: {  	[sflag:s31] =	ssyncset.done $0x0;
	(pc) =	sbr.rel @p0 .LBB2_1-.Ltmp0, $4  }
0xd2: {  	[sflag:s31] =	ssyncadd.s32 $0xFFFF4000  }
0xd3: {  	_ =	swait.ge [sflag:s1], $0xC000  }
0xd4: {  	[sflag:s1] =	ssyncset.done $0x0  }
0xd5: {  	s6 =	sadd.s32 $0xFFFFFFFF, s6;
	[sflag:s1] =	ssyncadd.s32 $0xFFFF4000  }
0xd6: {  	_ =	sfence.sel $0x180000  }
0xd7: {  	[bflag:$0x0] =	sbarrier.arrive $0xFFFF  }
0xd8: {  	_ =	strace $0x9000004A  }
0xd9: {  	s0 =	stileid.u32;
	[bflag:$0x2] =	sbarrier.arrive $0xFFFF  }
0xda: {  	p0 =	sne.s32 s0, $0x0;
	s0 =	rddreg [dreg:$0x2]  }
0xdb: {  	s0 =	sadd.s32 @!p0 $0x100000, s0  }
0xdc: {  	[sflag:s0] =	ssyncadd.tile.s32 @!p0 $0x1;
	_ =	shalt  }
.Lfunc_end2:
_tile_overlayer_lowered:
.L_overlay_start_2:
0xdd: {  	(tag) =	ssettag $0x2  }
0xde: {  	s0 =	rddreg [dreg:$0x0];
	s2 =	stileid.u32  }
0xdf: {  	s1 =	rddreg [dreg:$0x1];
	p0 =	sne.s32 s2, $0x0  }
0xe0: {  	s3 =	rddreg [dreg:$0x2];
	[bflag:$0x3] =	sbarrier.arrive $0xFFFF;
	s2 =	simm.s32 @!p0 $0x1C03  }
0xe1: {  	[timem:s3], [sflag:s2] =	dma.local @!p0 [hbm:s0], s1  }
0xe2: {  	s0 =	simm.s32 @!p0 $0x3  }
0xe3: {  	_ =	swait.ge @!p0 [sflag:s0], s1  }
0xe4: {  	s1 =	ssub.s32 @!p0 $0x0, s1;
	[sflag:s0] =	ssyncset.done @!p0 $0x0  }
0xe5: {  	[sflag:s0] =	ssyncadd.s32 @!p0 s1  }
0xe6: {  	[bflag:$0x3] =	sbarrier.arrive $0xFFFF  }
0xe7: {  	_ =	shalt  }

// kernel: kernel.7.cloned.1.call-start
scs
__scs_entry_jumppad:
0x0: {  	(pc) =	sbr.rel $0x88, $3  }
0x1: {  	(tag) =	ssettag $0x0;
	lr =	simm.s32 $0x1  }
0x2: {  	[smem:$0x3F99] =	sst lr;
	_ =	strace $0xD0000000  }
0x3: {  	_ = 	snop  }
0x4: {  	_ = 	snop  }
0x5: {  	_ = 	snop  }
0x6: {  	_ = 	snop  }
0x7: {  	_ = 	snop  }
__scs_overlays_trampoline_lowered:
0x8: {  	[smem:$0x3FA8] =	sst s0  }
0x9: {  	[smem:$0x3FA9] =	sst s1  }
0xa: {  	[smem:$0x3FAA] =	sst s2  }
0xb: {  	[smem:$0x3FAB] =	sst s3  }
0xc: {  	[smem:$0x3FAC] =	sst s4  }
0xd: {  	[smem:$0x3FAD] =	sst s5  }
0xe: {  	[smem:$0x3FAE] =	sst s6  }
0xf: {  	[smem:$0x3FAF] =	sst s7  }
0x10: {  	[smem:$0x3FB0] =	sst s8  }
0x11: {  	[smem:$0x3FB1] =	sst s9;
	s0 =	simm.s32 @!p0 $0x0  }
0x12: {  	s1 =	sld [smem:$0x3F97];
	s0 =	simm.s32 @p0 $0x1  }
0x13: {  	[smem:$0x3FB2] =	sst s0;
	s0 =	simm.s32 @!p1 $0x0  }
0x14: {  	s2 =	sld [smem:$0x3F96];
	s0 =	simm.s32 @p1 $0x1  }
0x15: {  	[smem:$0x3FB3] =	sst s0;
	s0 =	simm.s32 @!p2 $0x0  }
0x16: {  	s3 =	sld [smem:$0x3FDB];
	s0 =	simm.s32 @p2 $0x1  }
0x17: {  	s4 =	simm.s32 $0x1BF5;
	[smem:$0x3FB5] =	sst s0  }
0x18: {  	s0 =	sld [smem:$0x3F98];
	_ =	swait.ge [sflag:s4], $0x0  }
0x19: {  	s7 =	sld [smem:$0x3F99]  }
0x1a: {  	s8 =	sadd.s32 $0xFFFFE003, lr  }
0x1b: {  	s9 =	sadd.s32 $0xFFFFFEF7, lr;
	s5 =	simm.s32 $0xFFFFFFFF;
	p2 =	slt.u32 s8, $0xFFFFF086  }
0x1c: {  	p1 =	slt.u32 s9, $0xF7A;
	s5 =	simm.s32 @!p2 $0x0  }
0x1d: {  	s5 =	simm.s32 @p1 $0x1;
	p0 =	seq.s32 s7, s2  }
0x1e: {  	s7 =	smul.u32 @!p0 $0xF7A, s2;
	p2 =	seq.s32 @!p0 s5, $0x0  }
0x1f: {  	s9 =	smul.u32 $0xF7A, s1;
	s8 =	simm.s32 @!p0 $0x1BF5;
	p2 =	por !p2, p0  }
0x20: {  	[sflag:s8] =	ssyncset.s32 @!p0 $0xFFFFF086;
	s6 =	sadd.s32 @!p0 s3, s7;
	s7 =	simm.s32 @!p0 $0x108  }
0x21: {  	s3 =	sadd.s32 s3, s9;
	s6 =	sadd.s32 @!p0 $0x88, s6;
	s7 =	simm.s32 @p2 $0x1082  }
0x22: {  	[simem:s7], [sflag:s8] =	dma.local @!p0 [hbm:s6], $0xF7A  }
0x23: {  	s9 =	sor.u32 $0xD0000000, s2;
	s6 =	simm.s32 $0x108;
	_ =	swait.ge @!p0 [sflag:s8], $0x0  }
0x24: {  	s3 =	sadd.s32 $0x88, s3;
	s6 =	simm.s32 @!p1 $0x1082;
	[sflag:s4] =	ssyncset.s32 $0xFFFFF086  }
0x25: {  	[simem:s6], [sflag:s4] =	dma.local [hbm:s3], $0xF7A  }
0x26: {  	[smem:$0x3F99] =	sst s1;
	(tag) =	ssettag s2;
	_ =	strace s9  }
0x27: {  	s1 =	sld [smem:$0x3FA9]  }
0x28: {  	s2 =	sld [smem:$0x3FAA]  }
0x29: {  	s4 =	sld [smem:$0x3FAC]  }
0x2a: {  	p0 =	seq.s32 s5, $0x0;
	s5 =	sld [smem:$0x3FAD]  }
0x2b: {  	s6 =	sld [smem:$0x3FAE]  }
0x2c: {  	s7 =	sld [smem:$0x3FAF]  }
0x2d: {  	s3 =	simm.s32 $0x108;
	s8 =	sld [smem:$0x3FB0]  }
0x2e: {  	s3 =	simm.s32 @!p0 $0x1082;
	s9 =	sld [smem:$0x3FB1]  }
0x2f: {  	lr =	sadd.s32 s0, s3;
	s0 =	sld [smem:$0x3FA8]  }
0x30: {  	s3 =	sld [smem:$0x3FAB]  }
0x31: {  	[smem:$0x3FB4] =	sst s10  }
0x32: {  	s10 =	sld [smem:$0x3FB2];
	_ =	sdelay $0x3  }
0x33: {  	p0 =	seq.s32 s10, $0x1;
	s10 =	sld [smem:$0x3FB4];
	_ =	sdelay $0x3  }
0x34: {  	[smem:$0x3FB4] =	sst s10  }
0x35: {  	s10 =	sld [smem:$0x3FB3];
	_ =	sdelay $0x3  }
0x36: {  	p1 =	seq.s32 s10, $0x1;
	s10 =	sld [smem:$0x3FB4];
	_ =	sdelay $0x3  }
0x37: {  	[smem:$0x3FB4] =	sst s10  }
0x38: {  	s10 =	sld [smem:$0x3FB5]  }
0x39: {  	_ = 	snop;
	(pc) =	sbr.ind lr, $3  }
0x3a: {  	_ = 	snop  }
0x3b: {  	_ = 	snop  }
0x3c: {  	p2 =	seq.s32 s10, $0x1;
	s10 =	sld [smem:$0x3FB4]  }
0x3d: {  	_ =	shalt  }
0x3e: {  	_ =	shalt  }
0x3f: {  	_ =	shalt  }
0x40: {  	_ =	shalt  }
0x41: {  	_ =	shalt  }
0x42: {  	_ =	shalt  }
0x43: {  	_ =	shalt  }
0x44: {  	_ =	shalt  }
0x45: {  	_ =	shalt  }
0x46: {  	_ =	shalt  }
0x47: {  	_ =	shalt  }
0x48: {  	_ =	shalt  }
0x49: {  	_ =	shalt  }
0x4a: {  	_ =	shalt  }
0x4b: {  	_ =	shalt  }
0x4c: {  	_ =	shalt  }
0x4d: {  	_ =	shalt  }
0x4e: {  	_ =	shalt  }
0x4f: {  	_ =	shalt  }
0x50: {  	_ =	shalt  }
0x51: {  	_ =	shalt  }
0x52: {  	_ =	shalt  }
0x53: {  	_ =	shalt  }
0x54: {  	_ =	shalt  }
0x55: {  	_ =	shalt  }
0x56: {  	_ =	shalt  }
0x57: {  	_ =	shalt  }
0x58: {  	_ =	shalt  }
0x59: {  	_ =	shalt  }
0x5a: {  	_ =	shalt  }
0x5b: {  	_ =	shalt  }
0x5c: {  	_ =	shalt  }
0x5d: {  	_ =	shalt  }
0x5e: {  	_ =	shalt  }
0x5f: {  	_ =	shalt  }
0x60: {  	_ =	shalt  }
0x61: {  	_ =	shalt  }
0x62: {  	_ =	shalt  }
0x63: {  	_ =	shalt  }
0x64: {  	_ =	shalt  }
0x65: {  	_ =	shalt  }
0x66: {  	_ =	shalt  }
0x67: {  	_ =	shalt  }
0x68: {  	_ =	shalt  }
0x69: {  	_ =	shalt  }
0x6a: {  	_ =	shalt  }
0x6b: {  	_ =	shalt  }
0x6c: {  	_ =	shalt  }
0x6d: {  	_ =	shalt  }
0x6e: {  	_ =	shalt  }
0x6f: {  	_ =	shalt  }
0x70: {  	_ =	shalt  }
0x71: {  	_ =	shalt  }
0x72: {  	_ =	shalt  }
0x73: {  	_ =	shalt  }
0x74: {  	_ =	shalt  }
0x75: {  	_ =	shalt  }
0x76: {  	_ =	shalt  }
0x77: {  	_ =	shalt  }
0x78: {  	_ =	shalt  }
0x79: {  	_ =	shalt  }
0x7a: {  	_ =	shalt  }
0x7b: {  	_ =	shalt  }
0x7c: {  	_ =	shalt  }
0x7d: {  	_ =	shalt  }
0x7e: {  	_ =	shalt  }
0x7f: {  	_ =	shalt  }
0x80: {  	_ =	shalt  }
0x81: {  	_ =	shalt  }
0x82: {  	_ =	shalt  }
0x83: {  	_ =	shalt  }
0x84: {  	_ =	shalt  }
0x85: {  	_ =	shalt  }
0x86: {  	_ =	shalt  }
0x87: {  	_ =	shalt  }
.Lfunc_end0:
.L_simem_size_0:
called_computation_lowered:
.L_overlay_start_0:
0x88: {  	s2 =	sld [smem:$0x3FD9]  }
0x89: {  	s3 =	sld [smem:$0x3FFE];
	_ =	sdelay $0x1  }
0x8a: {  	s1 =	srdreg.scid  }
0x8b: {  	s0 =	sand.u32 $0x1, s1  }
0x8c: {  	s17 =	sshll.u32 s0, $0xA;
	s2 =	sadd.s32 s3, s2  }
0x8d: {  	s2 =	sadd.s32 s2, s17  }
0x8e: {  	[smem:$0x3FC0] =	sst s2  }
0x8f: {  	_ = 	snop  }
0x90: {  	s2 =	sld [smem:$0x3FC9];
	(tm) =	ssettm $0x1  }
0x91: {  	s18 =	sld [smem:$0x3FFB];
	_ =	sdelay $0x3  }
0x92: {  	_ =	strace s18  }
0x93: {  	s3 =	sld [smem:$0x3FFC];
	_ =	sdelay $0x3  }
0x94: {  	_ =	strace s3  }
0x95: {  	s3 =	sld [smem:$0x3FFD];
	_ =	sdelay $0x3  }
0x96: {  	_ =	strace s3  }
0x97: {  	_ =	strace $0x8FFFFFFF  }
0x98: {  	s19 =	sld [smem:$0x3FDB];
	_ =	sdelay $0x1  }
0x99: {  	s4 =	simm.s32 $_scs_section_size  }
0x9a: {  	s5 =	simm.s32 $_size__tile_overlayer_lowered;
	s6 =	simm.s32 $_tile_overlayer_lowered  }
0x9b: {  	s22 =	simm.s32 $0x1BFF;
	s21 =	sshll.u32 s6, $0x1;
	s3 =	sadd.s32 s4, s19  }
0x9c: {  	s7 =	simm.s32 $0x0;
	s20 =	sshll.u32 s5, $0x1;
	s5 =	sadd.s32 s21, s3  }
0x9d: {  	[timem:s7], [sflag:s22] =	dma.local [hbm:s5], s20  }
0x9e: {  	_ =	swait.ge [sflag:s22], s20  }
0x9f: {  	s4 =	ssub.s32 $0x0, s20;
	[sflag:s22] =	ssyncset.done $0x0  }
0xa0: {  	[sflag:s22] =	ssyncadd.s32 s4;
	_ =	sdelay $0x1  }
0xa1: {  	s23 =	simm.s32 $0x1B8B  }
0xa2: {  	_ =	swait.ge [sflag:s23], $0x1  }
0xa3: {  	[sflag:s23] =	ssyncset.done $0x0  }
0xa4: {  	s25 =	simm.s32 $0x1B8E;
	s24 =	sld [smem:$0x3FFE];
	[sflag:s23] =	ssyncadd.s32 $0xFFFFFFFF  }
0xa5: {  	s26 =	simm.s32 $execute0_lowered;
	[smem:$0x3FD2] =	sst s25  }
0xa6: {  	s5 =	sshll.u32 s26, $0x1;
	_ =	strace $0x80000046;
	[dreg:$0x1] =	wrdreg $0xFFFFFFFF  }
0xa7: {  	s28 =	simm.s32 $_size_execute0_lowered;
	s3 =	sadd.s32 s3, s5;
	[dreg:$0x0] =	wrdreg $0x0  }
0xa8: {  	s5 =	sshll.u32 s28, $0x1;
	[dreg:$0x2] =	wrdreg s3  }
0xa9: {  	[dreg:$0x3] =	wrdreg s5  }
0xaa: {  	[dreg:$0x4] =	wrdreg $0xC0  }
0xab: {  	_ =	task [dreg:s7], $0x5FFFF  }
0xac: {  	[dreg:$0x1] =	wrdreg $0xFFFFFFFF  }
0xad: {  	[dreg:$0x0] =	wrdreg $0x60  }
0xae: {  	[dreg:$0x2] =	wrdreg s2  }
0xaf: {  	[dreg:$0x3] =	wrdreg s24  }
0xb0: {  	[dreg:$0x4] =	wrdreg $0x9  }
0xb1: {  	_ =	task.clear_ibuf [dreg:s7], $0x5FFFF;
	_ =	strace $0x90000046  }
0xb2: {  	s29 =	simm.s32 $0x9;
	_ =	strace $0x80000048  }
0xb3: {  	_ =	swait.ge [sflag:s29], $0x1  }
0xb4: {  	[sflag:s29] =	ssyncadd.s32 $0xFFFFFFFF  }
0xb5: {  	_ =	strace $0x90000048  }
0xb6: {  	_ =	sfence  }
0xb7: {  	s30 =	sld [smem:$0x0];
	_ =	sdelay $0x2  }
0xb8: {  	s31 =	sshll.u32 s1, $0xD;
	s1 =	sshrl.u32 s1, $0x2  }
0xb9: {  	s3 =	sand.u32 $0x4000, s31;
	s1 =	sadd.s32 s1, s30  }
0xba: {  	s0 =	sor.u32 s3, s0;
	s1 =	sshll.u32 s1, $0x11  }
0xbb: {  	s0 =	sor.u32 s1, s0  }
0xbc: {  	s0 =	sadd.s32 $0x8F2B, s0  }
0xbd: {  	[sflag:s0] =	ssyncadd.remote.s32 $0x1  }
0xbe: {  	_ =	sfence.sel $0xFFFF  }
0xbf: {  	[dreg:$0x0] =	wrdreg $0xFFFFFFFF;
	(pc) =	sbr.abs _section_cstart, $3  }
0xc0: {  	[dreg:$0x1] =	wrdreg $0xFFFFFFFF  }
0xc1: {  	_ =	task.clear_ibuf [dreg:s7], $0x2FFFF;
	_ =	strace $0x9FFFFFFF  }
0xc2: {  	(tm) =	ssettm $0x7FFFFFFF  }
0xc3: {  	_ =	shalt  }
tec
execute0_lowered:
.L_overlay_start_1:
0x0: {  	(tag) =	ssettag $0x1  }
0x1: {  	s0 =	srdreg.scid  }
0x2: {  	s1 =	rddreg [dreg:$0x0];
	s2 =	stileid.u32  }
0x3: {  	s5 =	rddreg [dreg:$0x1];
	s26 =	simm.s32 $0x80;
	s8 =	simm.s32 $0x3  }
0x4: {  	s9 =	simm.s32 $0x1;
	s10 =	simm.s32 $0x100;
	s13 =	simm.s32 $0x1900  }
0x5: {  	s14 =	simm.s32 $0x2100;
	s15 =	simm.s32 $0x2900;
	s16 =	simm.s32 $0x3100  }
0x6: {  	s17 =	simm.s32 $0x3900;
	s18 =	simm.s32 $0x4100;
	s19 =	simm.s32 $0x4900  }
0x7: {  	s20 =	simm.s32 $0x5100;
	s21 =	simm.s32 $0x5900;
	s22 =	simm.s32 $0x6100  }
0x8: {  	s28 =	simm.s32 $0x8900;
	s29 =	simm.s32 $0x9100;
	s30 =	simm.s32 $0x9900  }
0x9: {  	s31 =	simm.s32 $0xA100;
	s7 =	simm.s32 $0xB900;
	s0 =	sand.u32 $0x1, s0  }
0xa: {  	s3 =	sshll.u32 s2, $0x4;
	s2 =	simm.s32 $0x0;
	s4 =	sshll.u32 s0, $0x3  }
0xb: {  	[smem:$0x7FF] =	sst s2;
	s0 =	ssub.s32 $0x2, s0;
	s3 =	sor.u32 s4, s3  }
0xc: {  	_ =	strace $0x80000047;
	s23 =	sshrl.u32 s0, $0x1;
	[dreg:$0x6] =	wrdreg s26  }
0xd: {  	s26 =	simm.s32 $0x8100;
	s4 =	smul.u32 $0x300, s3;
	s6 =	sadd.s32 s3, s5  }
0xe: {  	s3 =	sadd.s32 $0x3000, s5;
	s0 =	ssub.s32 s0, s23;
	s24 =	sadd.s32 $0x2C00, s6  }
0xf: {  	s23 =	simm.s32 $0x6900;
	s25 =	sadd.s32 $0x2E00, s6;
	[dreg:$0x4] =	wrdreg s24  }
0x10: {  	v2 =	vlaneseq.u32;
	s6 =	smax.u32 s0, $0x1;
	s1 =	sadd.s32 s1, s4;
	[dreg:$0x5] =	wrdreg s25  }
0x11: {  	vm0 =	vmmov $0xffff;
	v1 =	vshrl.u32 v2, $0x3;
	s4 =	sadd.s32 $0x3100, s5;
	s5 =	sadd.s32 $0x3200, s5;
	s24 =	simm.s32 $0x7100  }
0x12: {  	v0 =	vand.u32 $0x7, v2;
	v2 =	vor.u32 $0x8, v2;
	v1 =	vmul.u32 $0x8, v1;
	s25 =	simm.s32 $0x7900;
	[dreg:$0x3] =	wrdreg s1;
	s1 =	simm.s32 $0xA900  }
.LBB2_1:
0x13: {  	s11 =	rddreg [dreg:$0x3]  }
0x14: {  	[tilespmem:s10], [sflag:$0x1] =	stream.linear.gather [hbm4b:s11+s2], $0xC000, $0x38;
	[tilespmem:$0xC100] =	vst v63  }
0x15: {  	s12 =	rddreg [dreg:$0x4]  }
0x16: {  	[tilespmem:s2], [sflag:$0x3] =	stream.linear.gather [hbm4b:s12+s2], $0x40, $0x38;
	[tilespmem:$0xC100] =	vst v63  }
0x17: {  	_ =	swait.ge [sflag:s8], $0x40  }
0x18: {  	s12 =	rddreg [dreg:$0x5];
	[sflag:s8] =	ssyncset.done $0x0  }
0x19: {  	s0 =	rddreg [dreg:$0x6];
	[sflag:s8] =	ssyncadd.s32 $0xFFFFFFC0  }
0x1a: {  	[tilespmem:s0], [sflag:$0x3] =	stream.linear.gather [hbm4b:s12+s2], $0x40, $0x38;
	[tilespmem:$0xC100] =	vst v63  }
0x1b: {  	_ =	swait.ge [sflag:s8], $0x40  }
0x1c: {  	[sflag:s8] =	ssyncset.done $0x0  }
0x1d: {  	[sflag:s8] =	ssyncadd.s32 $0xFFFFFFC0  }
0x1e: {  	_ =	swait.ge [sflag:s9], $0xC000  }
0x1f: {  	[sflag:s9] =	ssyncset.done $0x0  }
0x20: {  	[sflag:s9] =	ssyncadd.s32 $0xFFFF4000  }
0x21: {  	v3 =	vld [tilespmem:$0x0];
	_ =	sdelay $0x4  }
0x22: {  	v4 =	vshrl.u32 v3, $0x3  }
0x23: {  	v4 =	vmul.u32 $0x30, v4  }
0x24: {  	v3 =	vand.u32 $0x7, v3  }
0x25: {  	v3 =	vor.u32 v3, v4  }
0x26: {  	v4 =	vperm.xlane v3, v0;
	_ =	sdelay $0x1  }
0x27: {  	v4 =	vadd.s32 v1, v4;
	_ =	sdelay $0x3  }
0x28: {  	v3 =	vperm.xlane v3, v2  }
0x29: {  	[hbm4b:s3+s2] =	stream.indirect_vreg.scatter [tilespmem:s10], [sflag:$0x1], $0x80, v4, vm0, $0xb8;
	[tilespmem:$0xC100] =	vst v63  }
0x2a: {  	s11 =	simm.s32 $0x900;
	v3 =	vadd.s32 v1, v3  }
0x2b: {  	[hbm4b:s4+s2] =	stream.indirect_vreg.scatter [tilespmem:s11], [sflag:$0x1], $0x80, v4, vm0, $0xb8;
	[tilespmem:$0xC100] =	vst v63  }
0x2c: {  	s12 =	simm.s32 $0x1100  }
0x2d: {  	[hbm4b:s5+s2] =	stream.indirect_vreg.scatter [tilespmem:s12], [sflag:$0x1], $0x80, v4, vm0, $0xb8;
	[tilespmem:$0xC100] =	vst v63  }
0x2e: {  	_ = 	snop  }
0x2f: {  	[hbm4b:s3+s2] =	stream.indirect_vreg.scatter [tilespmem:s13], [sflag:$0x1], $0x80, v3, vm0, $0xb8;
	[tilespmem:$0xC100] =	vst v63  }
0x30: {  	_ = 	snop  }
0x31: {  	[hbm4b:s4+s2] =	stream.indirect_vreg.scatter [tilespmem:s14], [sflag:$0x1], $0x80, v3, vm0, $0xb8;
	[tilespmem:$0xC100] =	vst v63  }
0x32: {  	_ = 	snop  }
0x33: {  	[hbm4b:s5+s2] =	stream.indirect_vreg.scatter [tilespmem:s15], [sflag:$0x1], $0x80, v3, vm0, $0xb8;
	[tilespmem:$0xC100] =	vst v63  }
0x34: {  	v3 =	vld [tilespmem:$0x10];
	_ =	sdelay $0x4  }
0x35: {  	v57 =	vshrl.u32 v3, $0x3  }
0x36: {  	v4 =	vmul.u32 $0x30, v57  }
0x37: {  	v3 =	vand.u32 $0x7, v3  }
0x38: {  	v3 =	vor.u32 v3, v4  }
0x39: {  	v4 =	vperm.xlane v3, v0;
	_ =	sdelay $0x1  }
0x3a: {  	v4 =	vadd.s32 v1, v4;
	_ =	sdelay $0x3  }
0x3b: {  	v3 =	vperm.xlane v3, v2  }
0x3c: {  	[hbm4b:s3+s2] =	stream.indirect_vreg.scatter [tilespmem:s16], [sflag:$0x1], $0x80, v4, vm0, $0xb8;
	[tilespmem:$0xC100] =	vst v63  }
0x3d: {  	v3 =	vadd.s32 v1, v3  }
0x3e: {  	[hbm4b:s4+s2] =	stream.indirect_vreg.scatter [tilespmem:s17], [sflag:$0x1], $0x80, v4, vm0, $0xb8;
	[tilespmem:$0xC100] =	vst v63  }
0x3f: {  	_ = 	snop  }
0x40: {  	[hbm4b:s5+s2] =	stream.indirect_vreg.scatter [tilespmem:s18], [sflag:$0x1], $0x80, v4, vm0, $0xb8;
	[tilespmem:$0xC100] =	vst v63  }
0x41: {  	_ = 	snop  }
0x42: {  	[hbm4b:s3+s2] =	stream.indirect_vreg.scatter [tilespmem:s19], [sflag:$0x1], $0x80, v3, vm0, $0xb8;
	[tilespmem:$0xC100] =	vst v63  }
0x43: {  	_ = 	snop  }
0x44: {  	[hbm4b:s4+s2] =	stream.indirect_vreg.scatter [tilespmem:s20], [sflag:$0x1], $0x80, v3, vm0, $0xb8;
	[tilespmem:$0xC100] =	vst v63  }
0x45: {  	_ = 	snop  }
0x46: {  	[hbm4b:s5+s2] =	stream.indirect_vreg.scatter [tilespmem:s21], [sflag:$0x1], $0x80, v3, vm0, $0xb8;
	[tilespmem:$0xC100] =	vst v63  }
0x47: {  	v3 =	vld [tilespmem:$0x20];
	_ =	sdelay $0x4  }
0x48: {  	v58 =	vshrl.u32 v3, $0x3  }
0x49: {  	v4 =	vmul.u32 $0x30, v58  }
0x4a: {  	v3 =	vand.u32 $0x7, v3  }
0x4b: {  	v3 =	vor.u32 v3, v4  }
0x4c: {  	v4 =	vperm.xlane v3, v0;
	_ =	sdelay $0x1  }
0x4d: {  	v4 =	vadd.s32 v1, v4;
	_ =	sdelay $0x3  }
0x4e: {  	v3 =	vperm.xlane v3, v2  }
0x4f: {  	[hbm4b:s3+s2] =	stream.indirect_vreg.scatter [tilespmem:s22], [sflag:$0x1], $0x80, v4, vm0, $0xb8;
	[tilespmem:$0xC100] =	vst v63  }
0x50: {  	v3 =	vadd.s32 v1, v3  }
0x51: {  	[hbm4b:s4+s2] =	stream.indirect_vreg.scatter [tilespmem:s23], [sflag:$0x1], $0x80, v4, vm0, $0xb8;
	[tilespmem:$0xC100] =	vst v63  }
0x52: {  	_ = 	snop  }
0x53: {  	[hbm4b:s5+s2] =	stream.indirect_vreg.scatter [tilespmem:s24], [sflag:$0x1], $0x80, v4, vm0, $0xb8;
	[tilespmem:$0xC100] =	vst v63  }
0x54: {  	_ = 	snop  }
0x55: {  	[hbm4b:s3+s2] =	stream.indirect_vreg.scatter [tilespmem:s25], [sflag:$0x1], $0x80, v3, vm0, $0xb8;
	[tilespmem:$0xC100] =	vst v63  }
0x56: {  	_ = 	snop  }
0x57: {  	[hbm4b:s4+s2] =	stream.indirect_vreg.scatter [tilespmem:s26], [sflag:$0x1], $0x80, v3, vm0, $0xb8;
	[tilespmem:$0xC100] =	vst v63  }
0x58: {  	_ = 	snop  }
0x59: {  	[hbm4b:s5+s2] =	stream.indirect_vreg.scatter [tilespmem:s28], [sflag:$0x1], $0x80, v3, vm0, $0xb8;
	[tilespmem:$0xC100] =	vst v63  }
0x5a: {  	v3 =	vld [tilespmem:$0x30];
	_ =	sdelay $0x4  }
0x5b: {  	v59 =	vshrl.u32 v3, $0x3  }
0x5c: {  	v4 =	vmul.u32 $0x30, v59  }
0x5d: {  	v3 =	vand.u32 $0x7, v3  }
0x5e: {  	v3 =	vor.u32 v3, v4  }
0x5f: {  	v4 =	vperm.xlane v3, v0;
	_ =	sdelay $0x1  }
0x60: {  	v4 =	vadd.s32 v1, v4;
	_ =	sdelay $0x3  }
0x61: {  	v3 =	vperm.xlane v3, v2  }
0x62: {  	[hbm4b:s3+s2] =	stream.indirect_vreg.scatter [tilespmem:s29], [sflag:$0x1], $0x80, v4, vm0, $0xb8;
	[tilespmem:$0xC100] =	vst v63  }
0x63: {  	v3 =	vadd.s32 v1, v3  }
0x64: {  	[hbm4b:s4+s2] =	stream.indirect_vreg.scatter [tilespmem:s30], [sflag:$0x1], $0x80, v4, vm0, $0xb8;
	[tilespmem:$0xC100] =	vst v63  }
0x65: {  	_ = 	snop  }
0x66: {  	[hbm4b:s5+s2] =	stream.indirect_vreg.scatter [tilespmem:s31], [sflag:$0x1], $0x80, v4, vm0, $0xb8;
	[tilespmem:$0xC100] =	vst v63  }
0x67: {  	_ = 	snop  }
0x68: {  	[hbm4b:s3+s2] =	stream.indirect_vreg.scatter [tilespmem:s1], [sflag:$0x1], $0x80, v3, vm0, $0xb8;
	[tilespmem:$0xC100] =	vst v63  }
0x69: {  	s0 =	simm.s32 $0xB100  }
0x6a: {  	[hbm4b:s4+s2] =	stream.indirect_vreg.scatter [tilespmem:s0], [sflag:$0x1], $0x80, v3, vm0, $0xb8;
	[tilespmem:$0xC100] =	vst v63  }
0x6b: {  	_ = 	snop  }
0x6c: {  	[hbm4b:s5+s2] =	stream.indirect_vreg.scatter [tilespmem:s7], [sflag:$0x1], $0x80, v3, vm0, $0xb8;
	[tilespmem:$0xC100] =	vst v63  }
0x6d: {  	v3 =	vld [tilespmem:$0x80];
	_ =	sdelay $0x4  }
0x6e: {  	v60 =	vshrl.u32 v3, $0x3  }
0x6f: {  	v4 =	vmul.u32 $0x30, v60  }
0x70: {  	v3 =	vand.u32 $0x7, v3  }
0x71: {  	v3 =	vor.u32 v3, v4  }
0x72: {  	v4 =	vperm.xlane v3, v0;
	_ =	sdelay $0x1  }
0x73: {  	v4 =	vadd.s32 v1, v4;
	_ =	sdelay $0x3  }
0x74: {  	v3 =	vperm.xlane v3, v2  }
0x75: {  	[hbm4b:s3+s2] =	stream.indirect_vreg.scatter [tilespmem:s10], [sflag:$0x2], $0x80, v4, vm0, $0xb8;
	[tilespmem:$0xC100] =	vst v63  }
0x76: {  	v3 =	vadd.s32 v1, v3  }
0x77: {  	[hbm4b:s4+s2] =	stream.indirect_vreg.scatter [tilespmem:s11], [sflag:$0x2], $0x80, v4, vm0, $0xb8;
	[tilespmem:$0xC100] =	vst v63  }
0x78: {  	_ = 	snop  }
0x79: {  	[hbm4b:s5+s2] =	stream.indirect_vreg.scatter [tilespmem:s12], [sflag:$0x2], $0x80, v4, vm0, $0xb8;
	[tilespmem:$0xC100] =	vst v63  }
0x7a: {  	_ = 	snop  }
0x7b: {  	[hbm4b:s3+s2] =	stream.indirect_vreg.scatter [tilespmem:s13], [sflag:$0x2], $0x80, v3, vm0, $0xb8;
	[tilespmem:$0xC100] =	vst v63  }
0x7c: {  	_ = 	snop  }
0x7d: {  	[hbm4b:s4+s2] =	stream.indirect_vreg.scatter [tilespmem:s14], [sflag:$0x2], $0x80, v3, vm0, $0xb8;
	[tilespmem:$0xC100] =	vst v63  }
0x7e: {  	_ = 	snop  }
0x7f: {  	[hbm4b:s5+s2] =	stream.indirect_vreg.scatter [tilespmem:s15], [sflag:$0x2], $0x80, v3, vm0, $0xb8;
	[tilespmem:$0xC100] =	vst v63  }
0x80: {  	v3 =	vld [tilespmem:$0x90];
	_ =	sdelay $0x4  }
0x81: {  	v61 =	vshrl.u32 v3, $0x3  }
0x82: {  	v4 =	vmul.u32 $0x30, v61  }
0x83: {  	v3 =	vand.u32 $0x7, v3  }
0x84: {  	v3 =	vor.u32 v3, v4  }
0x85: {  	v4 =	vperm.xlane v3, v0;
	_ =	sdelay $0x1  }
0x86: {  	v4 =	vadd.s32 v1, v4;
	_ =	sdelay $0x3  }
0x87: {  	v3 =	vperm.xlane v3, v2  }
0x88: {  	[hbm4b:s3+s2] =	stream.indirect_vreg.scatter [tilespmem:s16], [sflag:$0x2], $0x80, v4, vm0, $0xb8;
	[tilespmem:$0xC100] =	vst v63  }
0x89: {  	v3 =	vadd.s32 v1, v3  }
0x8a: {  	[hbm4b:s4+s2] =	stream.indirect_vreg.scatter [tilespmem:s17], [sflag:$0x2], $0x80, v4, vm0, $0xb8;
	[tilespmem:$0xC100] =	vst v63  }
0x8b: {  	_ = 	snop  }
0x8c: {  	[hbm4b:s5+s2] =	stream.indirect_vreg.scatter [tilespmem:s18], [sflag:$0x2], $0x80, v4, vm0, $0xb8;
	[tilespmem:$0xC100] =	vst v63  }
0x8d: {  	_ = 	snop  }
0x8e: {  	[hbm4b:s3+s2] =	stream.indirect_vreg.scatter [tilespmem:s19], [sflag:$0x2], $0x80, v3, vm0, $0xb8;
	[tilespmem:$0xC100] =	vst v63  }
0x8f: {  	_ = 	snop  }
0x90: {  	[hbm4b:s4+s2] =	stream.indirect_vreg.scatter [tilespmem:s20], [sflag:$0x2], $0x80, v3, vm0, $0xb8;
	[tilespmem:$0xC100] =	vst v63  }
0x91: {  	_ = 	snop  }
0x92: {  	[hbm4b:s5+s2] =	stream.indirect_vreg.scatter [tilespmem:s21], [sflag:$0x2], $0x80, v3, vm0, $0xb8;
	[tilespmem:$0xC100] =	vst v63  }
0x93: {  	v3 =	vld [tilespmem:$0xA0];
	_ =	sdelay $0x4  }
0x94: {  	v62 =	vshrl.u32 v3, $0x3  }
0x95: {  	v4 =	vmul.u32 $0x30, v62  }
0x96: {  	v3 =	vand.u32 $0x7, v3  }
0x97: {  	v3 =	vor.u32 v3, v4  }
0x98: {  	v4 =	vperm.xlane v3, v0;
	_ =	sdelay $0x1  }
0x99: {  	v4 =	vadd.s32 v1, v4;
	_ =	sdelay $0x3  }
0x9a: {  	v3 =	vperm.xlane v3, v2  }
0x9b: {  	[hbm4b:s3+s2] =	stream.indirect_vreg.scatter [tilespmem:s22], [sflag:$0x2], $0x80, v4, vm0, $0xb8;
	[tilespmem:$0xC100] =	vst v63  }
0x9c: {  	v3 =	vadd.s32 v1, v3  }
0x9d: {  	[hbm4b:s4+s2] =	stream.indirect_vreg.scatter [tilespmem:s23], [sflag:$0x2], $0x80, v4, vm0, $0xb8;
	[tilespmem:$0xC100] =	vst v63  }
0x9e: {  	_ = 	snop  }
0x9f: {  	[hbm4b:s5+s2] =	stream.indirect_vreg.scatter [tilespmem:s24], [sflag:$0x2], $0x80, v4, vm0, $0xb8;
	[tilespmem:$0xC100] =	vst v63  }
0xa0: {  	_ = 	snop  }
0xa1: {  	[hbm4b:s3+s2] =	stream.indirect_vreg.scatter [tilespmem:s25], [sflag:$0x2], $0x80, v3, vm0, $0xb8;
	[tilespmem:$0xC100] =	vst v63  }
0xa2: {  	_ = 	snop  }
0xa3: {  	[hbm4b:s4+s2] =	stream.indirect_vreg.scatter [tilespmem:s26], [sflag:$0x2], $0x80, v3, vm0, $0xb8;
	[tilespmem:$0xC100] =	vst v63  }
0xa4: {  	_ = 	snop  }
0xa5: {  	[hbm4b:s5+s2] =	stream.indirect_vreg.scatter [tilespmem:s28], [sflag:$0x2], $0x80, v3, vm0, $0xb8;
	[tilespmem:$0xC100] =	vst v63  }
0xa6: {  	v3 =	vld [tilespmem:$0xB0];
	_ =	sdelay $0x4  }
0xa7: {  	v63 =	vshrl.u32 v3, $0x3  }
0xa8: {  	v4 =	vmul.u32 $0x30, v63  }
0xa9: {  	v3 =	vand.u32 $0x7, v3  }
0xaa: {  	v3 =	vor.u32 v3, v4  }
0xab: {  	v4 =	vperm.xlane v3, v0;
	_ =	sdelay $0x1  }
0xac: {  	v4 =	vadd.s32 v1, v4;
	_ =	sdelay $0x3  }
0xad: {  	v3 =	vperm.xlane v3, v2  }
0xae: {  	[hbm4b:s3+s2] =	stream.indirect_vreg.scatter [tilespmem:s29], [sflag:$0x2], $0x80, v4, vm0, $0xb8;
	[tilespmem:$0xC100] =	vst v63  }
0xaf: {  	v3 =	vadd.s32 v1, v3  }
0xb0: {  	[hbm4b:s4+s2] =	stream.indirect_vreg.scatter [tilespmem:s30], [sflag:$0x2], $0x80, v4, vm0, $0xb8;
	[tilespmem:$0xC100] =	vst v63  }
0xb1: {  	_ = 	snop  }
0xb2: {  	[hbm4b:s5+s2] =	stream.indirect_vreg.scatter [tilespmem:s31], [sflag:$0x2], $0x80, v4, vm0, $0xb8;
	[tilespmem:$0xC100] =	vst v63  }
0xb3: {  	_ = 	snop  }
0xb4: {  	[hbm4b:s3+s2] =	stream.indirect_vreg.scatter [tilespmem:s1], [sflag:$0x2], $0x80, v3, vm0, $0xb8;
	[tilespmem:$0xC100] =	vst v63  }
0xb5: {  	_ = 	snop  }
0xb6: {  	[hbm4b:s4+s2] =	stream.indirect_vreg.scatter [tilespmem:s0], [sflag:$0x2], $0x80, v3, vm0, $0xb8;
	[tilespmem:$0xC100] =	vst v63  }
0xb7: {  	_ = 	snop  }
0xb8: {  	[hbm4b:s5+s2] =	stream.indirect_vreg.scatter [tilespmem:s7], [sflag:$0x2], $0x80, v3, vm0, $0xb8;
	[tilespmem:$0xC100] =	vst v63  }
0xb9: {  	p0 =	sne.s32 s6, $0x1;
	_ =	swait.ge [sflag:s9], $0xC000  }
.Ltmp0:
0xba: {  	[sflag:s9] =	ssyncset.done $0x0;
	(pc) =	sbr.rel @p0 .LBB2_1-.Ltmp0, $4  }
0xbb: {  	s12 =	simm.s32 $0x2;
	[sflag:s9] =	ssyncadd.s32 $0xFFFF4000  }
0xbc: {  	_ =	swait.ge [sflag:s12], $0xC000  }
0xbd: {  	[sflag:s12] =	ssyncset.done $0x0  }
0xbe: {  	s6 =	sadd.s32 $0xFFFFFFFF, s6;
	[sflag:s12] =	ssyncadd.s32 $0xFFFF4000  }
0xbf: {  	_ =	sfence.sel $0x180000  }
0xc0: {  	[bflag:$0x0] =	sbarrier.arrive $0xFFFF  }
0xc1: {  	_ =	strace $0x90000047  }
0xc2: {  	s0 =	stileid.u32;
	[bflag:$0x2] =	sbarrier.arrive $0xFFFF  }
0xc3: {  	p0 =	sne.s32 s0, $0x0;
	s0 =	rddreg [dreg:$0x2]  }
0xc4: {  	s0 =	sadd.s32 @!p0 $0x100000, s0  }
0xc5: {  	[sflag:s0] =	ssyncadd.tile.s32 @!p0 $0x1;
	_ =	shalt  }
.Lfunc_end2:
_tile_overlayer_lowered:
.L_overlay_start_2:
0xc6: {  	(tag) =	ssettag $0x2  }
0xc7: {  	s0 =	rddreg [dreg:$0x0];
	s2 =	stileid.u32  }
0xc8: {  	s1 =	rddreg [dreg:$0x1];
	p0 =	sne.s32 s2, $0x0  }
0xc9: {  	s3 =	rddreg [dreg:$0x2];
	[bflag:$0x3] =	sbarrier.arrive $0xFFFF;
	s2 =	simm.s32 @!p0 $0x1C03  }
0xca: {  	[timem:s3], [sflag:s2] =	dma.local @!p0 [hbm:s0], s1  }
0xcb: {  	s0 =	simm.s32 @!p0 $0x3  }
0xcc: {  	_ =	swait.ge @!p0 [sflag:s0], s1  }
0xcd: {  	s1 =	ssub.s32 @!p0 $0x0, s1;
	[sflag:s0] =	ssyncset.done @!p0 $0x0  }
0xce: {  	[sflag:s0] =	ssyncadd.s32 @!p0 s1  }
0xcf: {  	[bflag:$0x3] =	sbarrier.arrive $0xFFFF  }
0xd0: {  	_ =	shalt  }

</sc_bundles>
